<compile_context>
chip_gen: v7x
topology: tpu7x:2x2x1
jax: 0.10.2.dev20260603
libtpu: 0.0.44.dev20260713+nightly
codegen_flags: <defaults>
</compile_context>

<pallas_src>
import functools

import jax
import jax.numpy as jnp
from jax import lax
from jax.experimental import pallas as pl
from jax.experimental.pallas import tpu as pltpu
from jax.experimental.pallas import tpu_sc as plsc

N = 50000
E = 1600000
K = 15

NC, NS = 2, 16
NW = NC * NS
CHUNK = 2048
IDX_W = 128
SUB = CHUNK // IDX_W
EPT = 51200
E_PAD = NW * EPT
NCHUNK = EPT // CHUNK
ACC_ROWS = 50048
RPS = ACC_ROWS // NS


def _prop_body(g_hbm, srcs_hbm, dsts_hbm, out_hbm,
               idx_s0, idx_d0, rows0, idx_s1, idx_d1, rows1,
               acc, sem_g, sem_s0, sem_s1, *, width):
    c = lax.axis_index("c")
    s = lax.axis_index("s")
    wid = c * NS + s
    base0 = wid * EPT

    def zrow(i, _):
        rows0[i, :] = jnp.zeros((16,), jnp.float32)
        return ()
    lax.fori_loop(0, CHUNK, zrow, ())
    for off in range(0, RPS, CHUNK):
        m = min(CHUNK, RPS - off)
        pltpu.sync_copy(rows0.at[pl.ds(0, m)],
                        acc.at[pl.ds(s * RPS + off, m)])
    plsc.subcore_barrier()

    def do_chunk(g, idx_s, idx_d, rows, sem_s):
        base = base0 + g * CHUNK
        pltpu.sync_copy(srcs_hbm.at[pl.ds(base, CHUNK)], idx_s)
        pltpu.sync_copy(dsts_hbm.at[pl.ds(base, CHUNK)], idx_d)
        pltpu.async_copy(g_hbm.at[idx_s], rows, sem_g).wait()
        pltpu.async_copy(rows, acc.at[idx_d], sem_s, add=True)

    def drain(rows, sem_s):
        pltpu.make_async_copy(g_hbm.at[pl.ds(0, CHUNK)], rows, sem_s).wait()

    do_chunk(0, idx_s0, idx_d0, rows0, sem_s0)
    do_chunk(1, idx_s1, idx_d1, rows1, sem_s1)

    def pair(t, _):
        drain(rows0, sem_s0)
        do_chunk(2 * t, idx_s0, idx_d0, rows0, sem_s0)
        drain(rows1, sem_s1)
        do_chunk(2 * t + 1, idx_s1, idx_d1, rows1, sem_s1)
        return ()

    lax.fori_loop(1, NCHUNK // 2, pair, ())
    if NCHUNK % 2 == 1:
        drain(rows0, sem_s0)
        do_chunk(NCHUNK - 1, idx_s0, idx_d0, rows0, sem_s0)
    drain(rows0, sem_s0)
    drain(rows1, sem_s1)

    plsc.subcore_barrier()
    for off in range(0, RPS, CHUNK):
        m = min(CHUNK, RPS - off)
        pltpu.sync_copy(acc.at[pl.ds(s * RPS + off, m)],
                        rows0.at[pl.ds(0, m)])
        pltpu.sync_copy(rows0.at[pl.ds(0, m)],
                        out_hbm.at[pl.ds(c * ACC_ROWS + s * RPS + off, m)])


@functools.partial(jax.jit, static_argnames=("width",))
def _prop(g_table, srcs2d, dsts2d, *, width):
    mesh = plsc.VectorSubcoreMesh(core_axis_name="c", subcore_axis_name="s")
    kern = pl.kernel(
        functools.partial(_prop_body, width=width),
        out_type=jax.ShapeDtypeStruct((NC * ACC_ROWS, width), jnp.float32),
        mesh=mesh,
        scratch_types=[
            pltpu.VMEM((CHUNK,), jnp.int32),
            pltpu.VMEM((CHUNK,), jnp.int32),
            pltpu.VMEM((CHUNK, width), jnp.float32),
            pltpu.VMEM((CHUNK,), jnp.int32),
            pltpu.VMEM((CHUNK,), jnp.int32),
            pltpu.VMEM((CHUNK, width), jnp.float32),
            pltpu.VMEM_SHARED((ACC_ROWS, width), jnp.float32),
            pltpu.SemaphoreType.DMA,
            pltpu.SemaphoreType.DMA,
            pltpu.SemaphoreType.DMA,
        ],
        compiler_params=pltpu.CompilerParams(use_tc_tiling_on_sc=False),
    )
    return kern(g_table, srcs2d, dsts2d)


def _pad16(h):
    f = h.shape[1]
    if f == 16:
        return h
    return jnp.pad(h, ((0, 0), (0, 16 - f)))


def kernel(x, edge_index, y, Wl1, Wr1, b1, Wl2, Wr2, b2, Wl3, Wr3, b3,
           Wt1, bt1, Wt2, bt2, Wt3, bt3, Wlin, blin):
    src = edge_index[0]
    dst = edge_index[1]
    pad = E_PAD - E
    srcs2d = jnp.concatenate([src, jnp.zeros((pad,), jnp.int32)])
    dsts2d = jnp.concatenate([dst, jnp.full((pad,), N, jnp.int32)])
    def prop16(table):
        p = _prop(table, srcs2d, dsts2d, width=16)
        return p[:N] + p[ACC_ROWS:ACC_ROWS + N]

    ones_t = jnp.ones((N, 16), jnp.float32)
    deg = prop16(ones_t)[:, 0]
    deg_c = jnp.maximum(deg, 1.0)
    dinv = jnp.where(deg > 0, lax.rsqrt(deg_c), 0.0)
    inv_deg_c = (1.0 / deg_c)[:, None]
    dinv_c = dinv[:, None]

    def sage(h, Wl, Wr, b):
        f_in, f_out = Wl.shape
        if f_in <= 16:
            agg = prop16(_pad16(h))[:, :f_in]
            return (agg * inv_deg_c) @ Wl + h @ Wr + b
        if f_out <= 16:
            z = h @ Wl
            agg = prop16(_pad16(z))[:, :f_out]
            return agg * inv_deg_c + h @ Wr + b
        ng = f_in // 16
        hg = h.reshape(N, ng, 16).transpose(1, 0, 2)
        groups = []
        for gi in range(ng):
            groups.append(prop16(hg[gi]))
        agg = jnp.concatenate(groups, axis=1)
        return (agg * inv_deg_c) @ Wl + h @ Wr + b

    x1 = jax.nn.sigmoid(sage(x, Wl1, Wr1, b1))
    for _ in range(4):
        x1 = jax.nn.sigmoid(sage(x1, Wl2, Wr2, b2))
    x1 = jax.nn.relu(sage(x1, Wl3, Wr3, b3))

    def tag(h, W, b):
        f = h.shape[1]
        out = h @ W[0]
        u = _pad16(h * dinv_c)
        for k in range(1, K + 1):
            su = prop16(u)[:, :f]
            hk = dinv_c * su
            out = out + hk @ W[k]
            if k < K:
                u = _pad16(dinv_c * hk)
        return out + b

    x3 = jax.nn.sigmoid(tag(x, Wt1, bt1))
    for _ in range(4):
        x3 = jax.nn.sigmoid(tag(x3, Wt2, bt2))
    x3 = jax.nn.relu(tag(x3, Wt3, bt3))

    out = jnp.concatenate([x1, x3], axis=1)
    out = jax.nn.relu(out @ Wlin + blin)

    perm = jax.random.permutation(jax.random.key(1), N)[: int(N * 0.98)]
    in_perm = jnp.zeros((N,), jnp.bool_).at[perm].set(True)
    keep = jnp.logical_not(jnp.logical_and(in_perm, y[:, 0] == 0.0))
    return out * keep[:, None].astype(out.dtype)

# --- scband reference (transcript-rebuilt; emitter-appended) ---
"""Pipeline reference for scband-gra-nny-vi-pe-r-48000554500751 (READ-ONLY COPY).

The authoritative reference and input builder live on the scoring server;
editing this copy changes nothing except your own understanding.
"""

import jax, jax.numpy as jnp
import numpy as np

N = 50000
E = 1600000
K = 15

def setup_inputs(seed: int = 0):
    key = jax.random.key(seed)
    ks = jax.random.split(key, 16)
    def nrm(i, shape, scale=0.1):
        return jax.random.normal(ks[i], shape, dtype=jnp.float32) * scale
    inp = {}
    inp["x"] = jax.random.normal(ks[0], (N, 14), dtype=jnp.float32)
    inp["edge_index"] = jax.random.randint(ks[1], (2, E), 0, N, dtype=jnp.int32)
    inp["y"] = jax.random.randint(ks[2], (N, 1), 0, 2, dtype=jnp.int32).astype(jnp.float32)
    inp["Wl1"] = nrm(3, (14, 128)); inp["Wr1"] = nrm(4, (14, 128)); inp["b1"] = jnp.zeros((128,), jnp.float32)
    inp["Wl2"] = nrm(5, (128, 128)); inp["Wr2"] = nrm(6, (128, 128)); inp["b2"] = jnp.zeros((128,), jnp.float32)
    inp["Wl3"] = nrm(7, (128, 1)); inp["Wr3"] = nrm(8, (128, 1)); inp["b3"] = jnp.zeros((1,), jnp.float32)
    inp["Wt1"] = nrm(9, (K + 1, 14, 15)); inp["bt1"] = jnp.zeros((15,), jnp.float32)
    inp["Wt2"] = nrm(10, (K + 1, 15, 15)); inp["bt2"] = jnp.zeros((15,), jnp.float32)
    inp["Wt3"] = nrm(11, (K + 1, 15, 1)); inp["bt3"] = jnp.zeros((1,), jnp.float32)
    inp["Wlin"] = nrm(12, (2, 1)); inp["blin"] = jnp.zeros((1,), jnp.float32)
    return inp

def reference(x, edge_index, y, Wl1, Wr1, b1, Wl2, Wr2, b2, Wl3, Wr3, b3, Wt1, bt1, Wt2, bt2, Wt3, bt3, Wlin, blin):
    src = edge_index[0]
    dst = edge_index[1]
    deg = jax.ops.segment_sum(jnp.ones((E,), jnp.float32), dst, num_segments=N)
    deg_c = jnp.maximum(deg, 1.0)
    dinv = jnp.where(deg > 0, jax.lax.rsqrt(deg_c), 0.0)
    norm = dinv[src] * dinv[dst]

    def sage(h, Wl, Wr, b):
        agg = jax.ops.segment_sum(h[src], dst, num_segments=N)
        mean = agg / deg_c[:, None]
        return mean @ Wl + h @ Wr + b

    def tag(h, W, b):
        out = h @ W[0]
        hk = h
        for k in range(1, K + 1):
            hk = jax.ops.segment_sum(hk[src] * norm[:, None], dst, num_segments=N)
            out = out + hk @ W[k]
        return out + b

    x1 = jax.nn.sigmoid(sage(x, Wl1, Wr1, b1))
    for _ in range(4):
        x1 = jax.nn.sigmoid(sage(x1, Wl2, Wr2, b2))
    x1 = jax.nn.relu(sage(x1, Wl3, Wr3, b3))

    x3 = jax.nn.sigmoid(tag(x, Wt1, bt1))
    for _ in range(4):
        x3 = jax.nn.sigmoid(tag(x3, Wt2, bt2))
    x3 = jax.nn.relu(tag(x3, Wt3, bt3))

    out = jnp.concatenate([x1, x3], axis=1)
    out = jax.nn.relu(out @ Wlin + blin)

    perm = jax.random.permutation(jax.random.key(1), N)[: int(N * 0.98)]
    masked = jnp.where(y[perm] == 0.0, jnp.zeros_like(out[perm]), out[perm])
    out = out.at[perm].set(masked)
    return out

if __name__ == "__main__":
    import jax
    _d = setup_inputs()
    print(jax.jit(kernel)(*tuple(_d.values())))

</pallas_src>

<mosaic_0001>
#map = affine_map<(d0, d1) -> (0, 0)>
#map1 = affine_map<(d0, d1) -> (0)>
module attributes {stable_mosaic.version = 14 : i64} {
  func.func @_prop_body(%arg0: i32, %arg1: i32, %arg2: memref<50000x16xf32, #tpu.memory_space<hbm>>, %arg3: memref<1638400xi32, #tpu.memory_space<hbm>>, %arg4: memref<1638400xi32, #tpu.memory_space<hbm>>, %arg5: memref<100096x16xf32, #tpu.memory_space<hbm>>, %arg6: memref<2048xi32, #tpu.memory_space<vmem>>, %arg7: memref<2048xi32, #tpu.memory_space<vmem>>, %arg8: memref<2048x16xf32, #tpu.memory_space<vmem>>, %arg9: memref<2048xi32, #tpu.memory_space<vmem>>, %arg10: memref<2048xi32, #tpu.memory_space<vmem>>, %arg11: memref<2048x16xf32, #tpu.memory_space<vmem>>, %arg12: memref<50048x16xf32, #tpu.memory_space<vmem_shared>>, %arg13: memref<!tpu.dma_semaphore, #tpu.memory_space<semaphore_mem>>, %arg14: memref<!tpu.dma_semaphore, #tpu.memory_space<semaphore_mem>>, %arg15: memref<!tpu.dma_semaphore, #tpu.memory_space<semaphore_mem>>) attributes {dimension_semantics = [#tpu.dimension_semantics<core_parallel>, #tpu.dimension_semantics<subcore_parallel>], iteration_bounds = array<i64: 2, 16>, scalar_prefetch = 0 : i64, scratch_operands = 10 : i64, tpu.core_type = #tpu.core_type<sc_vector_subcore>, window_params = [{transform_indices = #map}, {transform_indices = #map1}, {transform_indices = #map1}, {transform_indices = #map}]} {
    %mul3A = arith.constant 16 : i32
    %mul3A_0 = arith.muli %arg0, %mul3A : i32
    %add3A = arith.addi %mul3A_0, %arg1 : i32
    %mul3A_1 = arith.constant 51200 : i32
    %mul3A_2 = arith.muli %add3A, %mul3A_1 : i32
    %scan3A = arith.constant 0 : i32
    %scan3A_3 = arith.constant 2048 : i32
    %scan3A_4 = arith.addi %scan3A, %scan3A_3 : i32
    %scan3A_5 = arith.constant 1 : i32
    scf.for %scan3A_92 = %scan3A to %scan3A_4 step %scan3A_5  : i32 {
      %broadcast_in_dim3A = arith.constant 0.000000e+00 : f32
      %broadcast_in_dim3A_93 = vector.broadcast %broadcast_in_dim3A : f32 to vector<16xf32>
      %swap3A = arith.index_cast %scan3A_92 : i32 to index
      %swap3A_94 = arith.constant 0 : index
      %swap3A_95 = tpu.vector_load %arg8[%swap3A, %swap3A_94] {strides = array<i32>} : memref<2048x16xf32, #tpu.memory_space<vmem>>, vector<1x16xf32>,
      %swap3A_96 = vector.shape_cast %swap3A_95 : vector<1x16xf32> to vector<16xf32>
      %swap3A_97 = vector.shape_cast %broadcast_in_dim3A_93 : vector<16xf32> to vector<1x16xf32>
      tpu.vector_store %arg8[%swap3A, %swap3A_94], %swap3A_97 {strides = array<i32>} : memref<2048x16xf32, #tpu.memory_space<vmem>>, vector<1x16xf32>,
    }
    %scan3A_6 = arith.constant 2048 : i32
    %mul3A_7 = arith.constant 3128 : i32
    %mul3A_8 = arith.muli %arg1, %mul3A_7 : i32
    %add3A_9 = arith.constant 0 : i32
    %add3A_10 = arith.addi %mul3A_8, %add3A_9 : i32
    "tpu.region"() ({
      %run_scoped3A = tpu.sem_alloc : memref<!tpu.dma_semaphore, #tpu.memory_space<semaphore_mem>>
      %dma_start3A_92 = arith.constant 0 : i32
      %dma_start3A_93 = arith.constant 0 : i32
      %dma_start3A_94 = tpu.memref_slice %arg8[%dma_start3A_92, %dma_start3A_93] : memref<2048x16xf32, #tpu.memory_space<vmem>> -> memref<2048x16xf32, #tpu.memory_space<vmem>>
      %dma_start3A_95 = arith.constant 0 : i32
      %dma_start3A_96 = tpu.memref_slice %arg12[%add3A_10, %dma_start3A_95] : memref<50048x16xf32, #tpu.memory_space<vmem_shared>> -> memref<2048x16xf32, #tpu.memory_space<vmem_shared>>
      %dma_start3A_97 = arith.constant 0 : i32
      %dma_start3A_98 = tpu.memref_slice %arg12[%add3A_10, %dma_start3A_97] : memref<50048x16xf32, #tpu.memory_space<vmem_shared>> -> memref<2048x16xf32, #tpu.memory_space<vmem_shared>>
      %dma_start3A_99 = arith.constant 0 : i32
      %dma_start3A_100 = arith.constant 0 : i32
      %dma_start3A_101 = tpu.memref_slice %arg8[%dma_start3A_99, %dma_start3A_100] : memref<2048x16xf32, #tpu.memory_space<vmem>> -> memref<2048x16xf32, #tpu.memory_space<vmem>>
      tpu.enqueue_dma source(%dma_start3A_101 : memref<2048x16xf32, #tpu.memory_space<vmem>>) target(%dma_start3A_98 : memref<2048x16xf32, #tpu.memory_space<vmem_shared>>) target_semaphore(%run_scoped3A : memref<!tpu.dma_semaphore, #tpu.memory_space<semaphore_mem>>)
      %dma_wait3A_102 = arith.constant 0 : i32
      %dma_wait3A_103 = arith.constant 0 : i32
      %dma_wait3A_104 = tpu.memref_slice %arg8[%dma_wait3A_102, %dma_wait3A_103] : memref<2048x16xf32, #tpu.memory_space<vmem>> -> memref<2048x16xf32, #tpu.memory_space<vmem>>
      %dma_wait3A_105 = arith.constant 0 : i32
      %dma_wait3A_106 = tpu.memref_slice %arg12[%add3A_10, %dma_wait3A_105] : memref<50048x16xf32, #tpu.memory_space<vmem_shared>> -> memref<2048x16xf32, #tpu.memory_space<vmem_shared>>
      %dma_wait3A_107 = arith.constant 0 : i32
      %dma_wait3A_108 = tpu.memref_slice %arg12[%add3A_10, %dma_wait3A_107] : memref<50048x16xf32, #tpu.memory_space<vmem_shared>> -> memref<2048x16xf32, #tpu.memory_space<vmem_shared>>
      %dma_wait3A_109 = arith.constant 0 : i32
      %dma_wait3A_110 = arith.constant 0 : i32
      %dma_wait3A_111 = tpu.memref_slice %arg8[%dma_wait3A_109, %dma_wait3A_110] : memref<2048x16xf32, #tpu.memory_space<vmem>> -> memref<2048x16xf32, #tpu.memory_space<vmem>>
      tpu.wait_dma2 semaphore(%run_scoped3A : memref<!tpu.dma_semaphore, #tpu.memory_space<semaphore_mem>>) src(%dma_wait3A_111 : memref<2048x16xf32, #tpu.memory_space<vmem>>) dst(%dma_wait3A_108 : memref<2048x16xf32, #tpu.memory_space<vmem_shared>>)
      tpu.yield
    }) : () -> ()
    %mul3A_11 = arith.constant 3128 : i32
    %mul3A_12 = arith.muli %arg1, %mul3A_11 : i32
    %add3A_13 = arith.constant 2048 : i32
    %add3A_14 = arith.addi %mul3A_12, %add3A_13 : i32
    "tpu.region"() ({
      %run_scoped3A = tpu.sem_alloc : memref<!tpu.dma_semaphore, #tpu.memory_space<semaphore_mem>>
      %dma_start3A_92 = arith.constant 0 : i32
      %dma_start3A_93 = arith.constant 0 : i32
      %dma_start3A_94 = tpu.memref_slice %arg8[%dma_start3A_92, %dma_start3A_93] : memref<2048x16xf32, #tpu.memory_space<vmem>> -> memref<1080x16xf32, #tpu.memory_space<vmem>>
      %dma_start3A_95 = arith.constant 0 : i32
      %dma_start3A_96 = tpu.memref_slice %arg12[%add3A_14, %dma_start3A_95] : memref<50048x16xf32, #tpu.memory_space<vmem_shared>> -> memref<1080x16xf32, #tpu.memory_space<vmem_shared>>
      %dma_start3A_97 = arith.constant 0 : i32
      %dma_start3A_98 = tpu.memref_slice %arg12[%add3A_14, %dma_start3A_97] : memref<50048x16xf32, #tpu.memory_space<vmem_shared>> -> memref<1080x16xf32, #tpu.memory_space<vmem_shared>>
      %dma_start3A_99 = arith.constant 0 : i32
      %dma_start3A_100 = arith.constant 0 : i32
      %dma_start3A_101 = tpu.memref_slice %arg8[%dma_start3A_99, %dma_start3A_100] : memref<2048x16xf32, #tpu.memory_space<vmem>> -> memref<1080x16xf32, #tpu.memory_space<vmem>>
      tpu.enqueue_dma source(%dma_start3A_101 : memref<1080x16xf32, #tpu.memory_space<vmem>>) target(%dma_start3A_98 : memref<1080x16xf32, #tpu.memory_space<vmem_shared>>) target_semaphore(%run_scoped3A : memref<!tpu.dma_semaphore, #tpu.memory_space<semaphore_mem>>)
      %dma_wait3A_102 = arith.constant 0 : i32
      %dma_wait3A_103 = arith.constant 0 : i32
      %dma_wait3A_104 = tpu.memref_slice %arg8[%dma_wait3A_102, %dma_wait3A_103] : memref<2048x16xf32, #tpu.memory_space<vmem>> -> memref<1080x16xf32, #tpu.memory_space<vmem>>
      %dma_wait3A_105 = arith.constant 0 : i32
      %dma_wait3A_106 = tpu.memref_slice %arg12[%add3A_14, %dma_wait3A_105] : memref<50048x16xf32, #tpu.memory_space<vmem_shared>> -> memref<1080x16xf32, #tpu.memory_space<vmem_shared>>
      %dma_wait3A_107 = arith.constant 0 : i32
      %dma_wait3A_108 = tpu.memref_slice %arg12[%add3A_14, %dma_wait3A_107] : memref<50048x16xf32, #tpu.memory_space<vmem_shared>> -> memref<1080x16xf32, #tpu.memory_space<vmem_shared>>
      %dma_wait3A_109 = arith.constant 0 : i32
      %dma_wait3A_110 = arith.constant 0 : i32
      %dma_wait3A_111 = tpu.memref_slice %arg8[%dma_wait3A_109, %dma_wait3A_110] : memref<2048x16xf32, #tpu.memory_space<vmem>> -> memref<1080x16xf32, #tpu.memory_space<vmem>>
      tpu.wait_dma2 semaphore(%run_scoped3A : memref<!tpu.dma_semaphore, #tpu.memory_space<semaphore_mem>>) src(%dma_wait3A_111 : memref<1080x16xf32, #tpu.memory_space<vmem>>) dst(%dma_wait3A_108 : memref<1080x16xf32, #tpu.memory_space<vmem_shared>>)
      tpu.yield
    }) : () -> ()
    %barrier3A = arith.constant 0 : index
    tpu.barrier barrier_id(%barrier3A)
    %add3A_15 = arith.constant 0 : i32
    %add3A_16 = arith.addi %mul3A_2, %add3A_15 : i32
    "tpu.region"() ({
      %run_scoped3A = tpu.sem_alloc : memref<!tpu.dma_semaphore, #tpu.memory_space<semaphore_mem>>
      %dma_start3A_92 = tpu.memref_slice %arg3[%add3A_16] : memref<1638400xi32, #tpu.memory_space<hbm>> -> memref<2048xi32, #tpu.memory_space<hbm>>
      %dma_start3A_93 = tpu.memref_slice %arg3[%add3A_16] : memref<1638400xi32, #tpu.memory_space<hbm>> -> memref<2048xi32, #tpu.memory_space<hbm>>
      tpu.enqueue_dma source(%dma_start3A_93 : memref<2048xi32, #tpu.memory_space<hbm>>) target(%arg6 : memref<2048xi32, #tpu.memory_space<vmem>>) target_semaphore(%run_scoped3A : memref<!tpu.dma_semaphore, #tpu.memory_space<semaphore_mem>>)
      %dma_wait3A_94 = tpu.memref_slice %arg3[%add3A_16] : memref<1638400xi32, #tpu.memory_space<hbm>> -> memref<2048xi32, #tpu.memory_space<hbm>>
      %dma_wait3A_95 = tpu.memref_slice %arg3[%add3A_16] : memref<1638400xi32, #tpu.memory_space<hbm>> -> memref<2048xi32, #tpu.memory_space<hbm>>
      tpu.wait_dma2 semaphore(%run_scoped3A : memref<!tpu.dma_semaphore, #tpu.memory_space<semaphore_mem>>) src(%dma_wait3A_95 : memref<2048xi32, #tpu.memory_space<hbm>>) dst(%arg6 : memref<2048xi32, #tpu.memory_space<vmem>>)
      tpu.yield
    }) : () -> ()
    "tpu.region"() ({
      %run_scoped3A = tpu.sem_alloc : memref<!tpu.dma_semaphore, #tpu.memory_space<semaphore_mem>>
      %dma_start3A_92 = tpu.memref_slice %arg4[%add3A_16] : memref<1638400xi32, #tpu.memory_space<hbm>> -> memref<2048xi32, #tpu.memory_space<hbm>>
      %dma_start3A_93 = tpu.memref_slice %arg4[%add3A_16] : memref<1638400xi32, #tpu.memory_space<hbm>> -> memref<2048xi32, #tpu.memory_space<hbm>>
      tpu.enqueue_dma source(%dma_start3A_93 : memref<2048xi32, #tpu.memory_space<hbm>>) target(%arg7 : memref<2048xi32, #tpu.memory_space<vmem>>) target_semaphore(%run_scoped3A : memref<!tpu.dma_semaphore, #tpu.memory_space<semaphore_mem>>)
      %dma_wait3A_94 = tpu.memref_slice %arg4[%add3A_16] : memref<1638400xi32, #tpu.memory_space<hbm>> -> memref<2048xi32, #tpu.memory_space<hbm>>
      %dma_wait3A_95 = tpu.memref_slice %arg4[%add3A_16] : memref<1638400xi32, #tpu.memory_space<hbm>> -> memref<2048xi32, #tpu.memory_space<hbm>>
      tpu.wait_dma2 semaphore(%run_scoped3A : memref<!tpu.dma_semaphore, #tpu.memory_space<semaphore_mem>>) src(%dma_wait3A_95 : memref<2048xi32, #tpu.memory_space<hbm>>) dst(%arg7 : memref<2048xi32, #tpu.memory_space<vmem>>)
      tpu.yield
    }) : () -> ()
    %dma_start3A = arith.constant 0 : i32
    %dma_start3A_17 = arith.constant 0 : i32
    %dma_start3A_18 = tpu.memref_slice %arg2[%dma_start3A, %dma_start3A_17] : memref<50000x16xf32, #tpu.memory_space<hbm>> -> memref<50000x16xf32, #tpu.memory_space<hbm>>
    tpu.enqueue_indirect_dma source(%dma_start3A_18 : memref<50000x16xf32, #tpu.memory_space<hbm>>) target(%arg8 : memref<2048x16xf32, #tpu.memory_space<vmem>>) offsets(%arg6 : memref<2048xi32, #tpu.memory_space<vmem>>) semaphore(%arg13 : memref<!tpu.dma_semaphore, #tpu.memory_space<semaphore_mem>>)
    %dma_wait3A = arith.constant 0 : i32
    %dma_wait3A_19 = arith.constant 0 : i32
    %dma_wait3A_20 = tpu.memref_slice %arg2[%dma_wait3A, %dma_wait3A_19] : memref<50000x16xf32, #tpu.memory_space<hbm>> -> memref<50000x16xf32, #tpu.memory_space<hbm>>
    tpu.wait_indirect_dma semaphore(%arg13 : memref<!tpu.dma_semaphore, #tpu.memory_space<semaphore_mem>>) src(%dma_wait3A_20 : memref<50000x16xf32, #tpu.memory_space<hbm>>) dst(%arg8 : memref<2048x16xf32, #tpu.memory_space<vmem>>)
    %dma_start3A_21 = arith.constant 0 : i32
    %dma_start3A_22 = arith.constant 0 : i32
    %dma_start3A_23 = tpu.memref_slice %arg12[%dma_start3A_21, %dma_start3A_22] : memref<50048x16xf32, #tpu.memory_space<vmem_shared>> -> memref<50048x16xf32, #tpu.memory_space<vmem_shared>>
    tpu.enqueue_indirect_dma source(%arg8 : memref<2048x16xf32, #tpu.memory_space<vmem>>) target(%dma_start3A_23 : memref<50048x16xf32, #tpu.memory_space<vmem_shared>>) offsets(%arg7 : memref<2048xi32, #tpu.memory_space<vmem>>) semaphore(%arg14 : memref<!tpu.dma_semaphore, #tpu.memory_space<semaphore_mem>>) {add = true}
    %add3A_24 = arith.constant 2048 : i32
    %add3A_25 = arith.addi %mul3A_2, %add3A_24 : i32
    "tpu.region"() ({
      %run_scoped3A = tpu.sem_alloc : memref<!tpu.dma_semaphore, #tpu.memory_space<semaphore_mem>>
      %dma_start3A_92 = tpu.memref_slice %arg3[%add3A_25] : memref<1638400xi32, #tpu.memory_space<hbm>> -> memref<2048xi32, #tpu.memory_space<hbm>>
      %dma_start3A_93 = tpu.memref_slice %arg3[%add3A_25] : memref<1638400xi32, #tpu.memory_space<hbm>> -> memref<2048xi32, #tpu.memory_space<hbm>>
      tpu.enqueue_dma source(%dma_start3A_93 : memref<2048xi32, #tpu.memory_space<hbm>>) target(%arg9 : memref<2048xi32, #tpu.memory_space<vmem>>) target_semaphore(%run_scoped3A : memref<!tpu.dma_semaphore, #tpu.memory_space<semaphore_mem>>)
      %dma_wait3A_94 = tpu.memref_slice %arg3[%add3A_25] : memref<1638400xi32, #tpu.memory_space<hbm>> -> memref<2048xi32, #tpu.memory_space<hbm>>
      %dma_wait3A_95 = tpu.memref_slice %arg3[%add3A_25] : memref<1638400xi32, #tpu.memory_space<hbm>> -> memref<2048xi32, #tpu.memory_space<hbm>>
      tpu.wait_dma2 semaphore(%run_scoped3A : memref<!tpu.dma_semaphore, #tpu.memory_space<semaphore_mem>>) src(%dma_wait3A_95 : memref<2048xi32, #tpu.memory_space<hbm>>) dst(%arg9 : memref<2048xi32, #tpu.memory_space<vmem>>)
      tpu.yield
    }) : () -> ()
    "tpu.region"() ({
      %run_scoped3A = tpu.sem_alloc : memref<!tpu.dma_semaphore, #tpu.memory_space<semaphore_mem>>
      %dma_start3A_92 = tpu.memref_slice %arg4[%add3A_25] : memref<1638400xi32, #tpu.memory_space<hbm>> -> memref<2048xi32, #tpu.memory_space<hbm>>
      %dma_start3A_93 = tpu.memref_slice %arg4[%add3A_25] : memref<1638400xi32, #tpu.memory_space<hbm>> -> memref<2048xi32, #tpu.memory_space<hbm>>
      tpu.enqueue_dma source(%dma_start3A_93 : memref<2048xi32, #tpu.memory_space<hbm>>) target(%arg10 : memref<2048xi32, #tpu.memory_space<vmem>>) target_semaphore(%run_scoped3A : memref<!tpu.dma_semaphore, #tpu.memory_space<semaphore_mem>>)
      %dma_wait3A_94 = tpu.memref_slice %arg4[%add3A_25] : memref<1638400xi32, #tpu.memory_space<hbm>> -> memref<2048xi32, #tpu.memory_space<hbm>>
      %dma_wait3A_95 = tpu.memref_slice %arg4[%add3A_25] : memref<1638400xi32, #tpu.memory_space<hbm>> -> memref<2048xi32, #tpu.memory_space<hbm>>
      tpu.wait_dma2 semaphore(%run_scoped3A : memref<!tpu.dma_semaphore, #tpu.memory_space<semaphore_mem>>) src(%dma_wait3A_95 : memref<2048xi32, #tpu.memory_space<hbm>>) dst(%arg10 : memref<2048xi32, #tpu.memory_space<vmem>>)
      tpu.yield
    }) : () -> ()
    %dma_start3A_26 = arith.constant 0 : i32
    %dma_start3A_27 = arith.constant 0 : i32
    %dma_start3A_28 = tpu.memref_slice %arg2[%dma_start3A_26, %dma_start3A_27] : memref<50000x16xf32, #tpu.memory_space<hbm>> -> memref<50000x16xf32, #tpu.memory_space<hbm>>
    tpu.enqueue_indirect_dma source(%dma_start3A_28 : memref<50000x16xf32, #tpu.memory_space<hbm>>) target(%arg11 : memref<2048x16xf32, #tpu.memory_space<vmem>>) offsets(%arg9 : memref<2048xi32, #tpu.memory_space<vmem>>) semaphore(%arg13 : memref<!tpu.dma_semaphore, #tpu.memory_space<semaphore_mem>>)
    %dma_wait3A_29 = arith.constant 0 : i32
    %dma_wait3A_30 = arith.constant 0 : i32
    %dma_wait3A_31 = tpu.memref_slice %arg2[%dma_wait3A_29, %dma_wait3A_30] : memref<50000x16xf32, #tpu.memory_space<hbm>> -> memref<50000x16xf32, #tpu.memory_space<hbm>>
    tpu.wait_indirect_dma semaphore(%arg13 : memref<!tpu.dma_semaphore, #tpu.memory_space<semaphore_mem>>) src(%dma_wait3A_31 : memref<50000x16xf32, #tpu.memory_space<hbm>>) dst(%arg11 : memref<2048x16xf32, #tpu.memory_space<vmem>>)
    %dma_start3A_32 = arith.constant 0 : i32
    %dma_start3A_33 = arith.constant 0 : i32
    %dma_start3A_34 = tpu.memref_slice %arg12[%dma_start3A_32, %dma_start3A_33] : memref<50048x16xf32, #tpu.memory_space<vmem_shared>> -> memref<50048x16xf32, #tpu.memory_space<vmem_shared>>
    tpu.enqueue_indirect_dma source(%arg11 : memref<2048x16xf32, #tpu.memory_space<vmem>>) target(%dma_start3A_34 : memref<50048x16xf32, #tpu.memory_space<vmem_shared>>) offsets(%arg10 : memref<2048xi32, #tpu.memory_space<vmem>>) semaphore(%arg15 : memref<!tpu.dma_semaphore, #tpu.memory_space<semaphore_mem>>) {add = true}
    %scan3A_35 = arith.constant 1 : i32
    %scan3A_36 = arith.constant 11 : i32
    %scan3A_37 = arith.addi %scan3A_35, %scan3A_36 : i32
    %scan3A_38 = arith.constant 1 : i32
    scf.for %scan3A_92 = %scan3A_35 to %scan3A_37 step %scan3A_38  : i32 {
      %dma_wait3A_93 = arith.constant 0 : i32
      %dma_wait3A_94 = arith.constant 0 : i32
      %dma_wait3A_95 = tpu.memref_slice %arg2[%dma_wait3A_93, %dma_wait3A_94] : memref<50000x16xf32, #tpu.memory_space<hbm>> -> memref<2048x16xf32, #tpu.memory_space<hbm>>
      %dma_wait3A_96 = arith.constant 0 : i32
      %dma_wait3A_97 = arith.constant 0 : i32
      %dma_wait3A_98 = tpu.memref_slice %arg2[%dma_wait3A_96, %dma_wait3A_97] : memref<50000x16xf32, #tpu.memory_space<hbm>> -> memref<2048x16xf32, #tpu.memory_space<hbm>>
      tpu.wait_dma2 semaphore(%arg14 : memref<!tpu.dma_semaphore, #tpu.memory_space<semaphore_mem>>) src(%dma_wait3A_98 : memref<2048x16xf32, #tpu.memory_space<hbm>>) dst(%arg8 : memref<2048x16xf32, #tpu.memory_space<vmem>>)
      %mul3A_99 = arith.constant 2 : i32
      %mul3A_100 = arith.muli %mul3A_99, %scan3A_92 : i32
      %mul3A_101 = arith.constant 2048 : i32
      %mul3A_102 = arith.muli %mul3A_100, %mul3A_101 : i32
      %add3A_103 = arith.addi %mul3A_2, %mul3A_102 : i32
      "tpu.region"() ({
        %run_scoped3A = tpu.sem_alloc : memref<!tpu.dma_semaphore, #tpu.memory_space<semaphore_mem>>
        %dma_start3A_135 = tpu.memref_slice %arg3[%add3A_103] : memref<1638400xi32, #tpu.memory_space<hbm>> -> memref<2048xi32, #tpu.memory_space<hbm>>
        %dma_start3A_136 = tpu.memref_slice %arg3[%add3A_103] : memref<1638400xi32, #tpu.memory_space<hbm>> -> memref<2048xi32, #tpu.memory_space<hbm>>
        tpu.enqueue_dma source(%dma_start3A_136 : memref<2048xi32, #tpu.memory_space<hbm>>) target(%arg6 : memref<2048xi32, #tpu.memory_space<vmem>>) target_semaphore(%run_scoped3A : memref<!tpu.dma_semaphore, #tpu.memory_space<semaphore_mem>>)
        %dma_wait3A_137 = tpu.memref_slice %arg3[%add3A_103] : memref<1638400xi32, #tpu.memory_space<hbm>> -> memref<2048xi32, #tpu.memory_space<hbm>>
        %dma_wait3A_138 = tpu.memref_slice %arg3[%add3A_103] : memref<1638400xi32, #tpu.memory_space<hbm>> -> memref<2048xi32, #tpu.memory_space<hbm>>
        tpu.wait_dma2 semaphore(%run_scoped3A : memref<!tpu.dma_semaphore, #tpu.memory_space<semaphore_mem>>) src(%dma_wait3A_138 : memref<2048xi32, #tpu.memory_space<hbm>>) dst(%arg6 : memref<2048xi32, #tpu.memory_space<vmem>>)
        tpu.yield
      }) : () -> ()
      "tpu.region"() ({
        %run_scoped3A = tpu.sem_alloc : memref<!tpu.dma_semaphore, #tpu.memory_space<semaphore_mem>>
        %dma_start3A_135 = tpu.memref_slice %arg4[%add3A_103] : memref<1638400xi32, #tpu.memory_space<hbm>> -> memref<2048xi32, #tpu.memory_space<hbm>>
        %dma_start3A_136 = tpu.memref_slice %arg4[%add3A_103] : memref<1638400xi32, #tpu.memory_space<hbm>> -> memref<2048xi32, #tpu.memory_space<hbm>>
        tpu.enqueue_dma source(%dma_start3A_136 : memref<2048xi32, #tpu.memory_space<hbm>>) target(%arg7 : memref<2048xi32, #tpu.memory_space<vmem>>) target_semaphore(%run_scoped3A : memref<!tpu.dma_semaphore, #tpu.memory_space<semaphore_mem>>)
        %dma_wait3A_137 = tpu.memref_slice %arg4[%add3A_103] : memref<1638400xi32, #tpu.memory_space<hbm>> -> memref<2048xi32, #tpu.memory_space<hbm>>
        %dma_wait3A_138 = tpu.memref_slice %arg4[%add3A_103] : memref<1638400xi32, #tpu.memory_space<hbm>> -> memref<2048xi32, #tpu.memory_space<hbm>>
        tpu.wait_dma2 semaphore(%run_scoped3A : memref<!tpu.dma_semaphore, #tpu.memory_space<semaphore_mem>>) src(%dma_wait3A_138 : memref<2048xi32, #tpu.memory_space<hbm>>) dst(%arg7 : memref<2048xi32, #tpu.memory_space<vmem>>)
        tpu.yield
      }) : () -> ()
      %dma_start3A_104 = arith.constant 0 : i32
      %dma_start3A_105 = arith.constant 0 : i32
      %dma_start3A_106 = tpu.memref_slice %arg2[%dma_start3A_104, %dma_start3A_105] : memref<50000x16xf32, #tpu.memory_space<hbm>> -> memref<50000x16xf32, #tpu.memory_space<hbm>>
      tpu.enqueue_indirect_dma source(%dma_start3A_106 : memref<50000x16xf32, #tpu.memory_space<hbm>>) target(%arg8 : memref<2048x16xf32, #tpu.memory_space<vmem>>) offsets(%arg6 : memref<2048xi32, #tpu.memory_space<vmem>>) semaphore(%arg13 : memref<!tpu.dma_semaphore, #tpu.memory_space<semaphore_mem>>)
      %dma_wait3A_107 = arith.constant 0 : i32
      %dma_wait3A_108 = arith.constant 0 : i32
      %dma_wait3A_109 = tpu.memref_slice %arg2[%dma_wait3A_107, %dma_wait3A_108] : memref<50000x16xf32, #tpu.memory_space<hbm>> -> memref<50000x16xf32, #tpu.memory_space<hbm>>
      tpu.wait_indirect_dma semaphore(%arg13 : memref<!tpu.dma_semaphore, #tpu.memory_space<semaphore_mem>>) src(%dma_wait3A_109 : memref<50000x16xf32, #tpu.memory_space<hbm>>) dst(%arg8 : memref<2048x16xf32, #tpu.memory_space<vmem>>)
      %dma_start3A_110 = arith.constant 0 : i32
      %dma_start3A_111 = arith.constant 0 : i32
      %dma_start3A_112 = tpu.memref_slice %arg12[%dma_start3A_110, %dma_start3A_111] : memref<50048x16xf32, #tpu.memory_space<vmem_shared>> -> memref<50048x16xf32, #tpu.memory_space<vmem_shared>>
      tpu.enqueue_indirect_dma source(%arg8 : memref<2048x16xf32, #tpu.memory_space<vmem>>) target(%dma_start3A_112 : memref<50048x16xf32, #tpu.memory_space<vmem_shared>>) offsets(%arg7 : memref<2048xi32, #tpu.memory_space<vmem>>) semaphore(%arg14 : memref<!tpu.dma_semaphore, #tpu.memory_space<semaphore_mem>>) {add = true}
      %dma_wait3A_113 = arith.constant 0 : i32
      %dma_wait3A_114 = arith.constant 0 : i32
      %dma_wait3A_115 = tpu.memref_slice %arg2[%dma_wait3A_113, %dma_wait3A_114] : memref<50000x16xf32, #tpu.memory_space<hbm>> -> memref<2048x16xf32, #tpu.memory_space<hbm>>
      %dma_wait3A_116 = arith.constant 0 : i32
      %dma_wait3A_117 = arith.constant 0 : i32
      %dma_wait3A_118 = tpu.memref_slice %arg2[%dma_wait3A_116, %dma_wait3A_117] : memref<50000x16xf32, #tpu.memory_space<hbm>> -> memref<2048x16xf32, #tpu.memory_space<hbm>>
      tpu.wait_dma2 semaphore(%arg15 : memref<!tpu.dma_semaphore, #tpu.memory_space<semaphore_mem>>) src(%dma_wait3A_118 : memref<2048x16xf32, #tpu.memory_space<hbm>>) dst(%arg11 : memref<2048x16xf32, #tpu.memory_space<vmem>>)
      %mul3A_119 = arith.constant 2 : i32
      %mul3A_120 = arith.muli %mul3A_119, %scan3A_92 : i32
      %add3A_121 = arith.constant 1 : i32
      %add3A_122 = arith.addi %mul3A_120, %add3A_121 : i32
      %mul3A_123 = arith.constant 2048 : i32
      %mul3A_124 = arith.muli %add3A_122, %mul3A_123 : i32
      %add3A_125 = arith.addi %mul3A_2, %mul3A_124 : i32
      "tpu.region"() ({
        %run_scoped3A = tpu.sem_alloc : memref<!tpu.dma_semaphore, #tpu.memory_space<semaphore_mem>>
        %dma_start3A_135 = tpu.memref_slice %arg3[%add3A_125] : memref<1638400xi32, #tpu.memory_space<hbm>> -> memref<2048xi32, #tpu.memory_space<hbm>>
        %dma_start3A_136 = tpu.memref_slice %arg3[%add3A_125] : memref<1638400xi32, #tpu.memory_space<hbm>> -> memref<2048xi32, #tpu.memory_space<hbm>>
        tpu.enqueue_dma source(%dma_start3A_136 : memref<2048xi32, #tpu.memory_space<hbm>>) target(%arg9 : memref<2048xi32, #tpu.memory_space<vmem>>) target_semaphore(%run_scoped3A : memref<!tpu.dma_semaphore, #tpu.memory_space<semaphore_mem>>)
        %dma_wait3A_137 = tpu.memref_slice %arg3[%add3A_125] : memref<1638400xi32, #tpu.memory_space<hbm>> -> memref<2048xi32, #tpu.memory_space<hbm>>
        %dma_wait3A_138 = tpu.memref_slice %arg3[%add3A_125] : memref<1638400xi32, #tpu.memory_space<hbm>> -> memref<2048xi32, #tpu.memory_space<hbm>>
        tpu.wait_dma2 semaphore(%run_scoped3A : memref<!tpu.dma_semaphore, #tpu.memory_space<semaphore_mem>>) src(%dma_wait3A_138 : memref<2048xi32, #tpu.memory_space<hbm>>) dst(%arg9 : memref<2048xi32, #tpu.memory_space<vmem>>)
        tpu.yield
      }) : () -> ()
      "tpu.region"() ({
        %run_scoped3A = tpu.sem_alloc : memref<!tpu.dma_semaphore, #tpu.memory_space<semaphore_mem>>
        %dma_start3A_135 = tpu.memref_slice %arg4[%add3A_125] : memref<1638400xi32, #tpu.memory_space<hbm>> -> memref<2048xi32, #tpu.memory_space<hbm>>
        %dma_start3A_136 = tpu.memref_slice %arg4[%add3A_125] : memref<1638400xi32, #tpu.memory_space<hbm>> -> memref<2048xi32, #tpu.memory_space<hbm>>
        tpu.enqueue_dma source(%dma_start3A_136 : memref<2048xi32, #tpu.memory_space<hbm>>) target(%arg10 : memref<2048xi32, #tpu.memory_space<vmem>>) target_semaphore(%run_scoped3A : memref<!tpu.dma_semaphore, #tpu.memory_space<semaphore_mem>>)
        %dma_wait3A_137 = tpu.memref_slice %arg4[%add3A_125] : memref<1638400xi32, #tpu.memory_space<hbm>> -> memref<2048xi32, #tpu.memory_space<hbm>>
        %dma_wait3A_138 = tpu.memref_slice %arg4[%add3A_125] : memref<1638400xi32, #tpu.memory_space<hbm>> -> memref<2048xi32, #tpu.memory_space<hbm>>
        tpu.wait_dma2 semaphore(%run_scoped3A : memref<!tpu.dma_semaphore, #tpu.memory_space<semaphore_mem>>) src(%dma_wait3A_138 : memref<2048xi32, #tpu.memory_space<hbm>>) dst(%arg10 : memref<2048xi32, #tpu.memory_space<vmem>>)
        tpu.yield
      }) : () -> ()
      %dma_start3A_126 = arith.constant 0 : i32
      %dma_start3A_127 = arith.constant 0 : i32
      %dma_start3A_128 = tpu.memref_slice %arg2[%dma_start3A_126, %dma_start3A_127] : memref<50000x16xf32, #tpu.memory_space<hbm>> -> memref<50000x16xf32, #tpu.memory_space<hbm>>
      tpu.enqueue_indirect_dma source(%dma_start3A_128 : memref<50000x16xf32, #tpu.memory_space<hbm>>) target(%arg11 : memref<2048x16xf32, #tpu.memory_space<vmem>>) offsets(%arg9 : memref<2048xi32, #tpu.memory_space<vmem>>) semaphore(%arg13 : memref<!tpu.dma_semaphore, #tpu.memory_space<semaphore_mem>>)
      %dma_wait3A_129 = arith.constant 0 : i32
      %dma_wait3A_130 = arith.constant 0 : i32
      %dma_wait3A_131 = tpu.memref_slice %arg2[%dma_wait3A_129, %dma_wait3A_130] : memref<50000x16xf32, #tpu.memory_space<hbm>> -> memref<50000x16xf32, #tpu.memory_space<hbm>>
      tpu.wait_indirect_dma semaphore(%arg13 : memref<!tpu.dma_semaphore, #tpu.memory_space<semaphore_mem>>) src(%dma_wait3A_131 : memref<50000x16xf32, #tpu.memory_space<hbm>>) dst(%arg11 : memref<2048x16xf32, #tpu.memory_space<vmem>>)
      %dma_start3A_132 = arith.constant 0 : i32
      %dma_start3A_133 = arith.constant 0 : i32
      %dma_start3A_134 = tpu.memref_slice %arg12[%dma_start3A_132, %dma_start3A_133] : memref<50048x16xf32, #tpu.memory_space<vmem_shared>> -> memref<50048x16xf32, #tpu.memory_space<vmem_shared>>
      tpu.enqueue_indirect_dma source(%arg11 : memref<2048x16xf32, #tpu.memory_space<vmem>>) target(%dma_start3A_134 : memref<50048x16xf32, #tpu.memory_space<vmem_shared>>) offsets(%arg10 : memref<2048xi32, #tpu.memory_space<vmem>>) semaphore(%arg15 : memref<!tpu.dma_semaphore, #tpu.memory_space<semaphore_mem>>) {add = true}
    }
    %scan3A_39 = arith.constant 11 : i32
    %dma_wait3A_40 = arith.constant 0 : i32
    %dma_wait3A_41 = arith.constant 0 : i32
    %dma_wait3A_42 = tpu.memref_slice %arg2[%dma_wait3A_40, %dma_wait3A_41] : memref<50000x16xf32, #tpu.memory_space<hbm>> -> memref<2048x16xf32, #tpu.memory_space<hbm>>
    %dma_wait3A_43 = arith.constant 0 : i32
    %dma_wait3A_44 = arith.constant 0 : i32
    %dma_wait3A_45 = tpu.memref_slice %arg2[%dma_wait3A_43, %dma_wait3A_44] : memref<50000x16xf32, #tpu.memory_space<hbm>> -> memref<2048x16xf32, #tpu.memory_space<hbm>>
    tpu.wait_dma2 semaphore(%arg14 : memref<!tpu.dma_semaphore, #tpu.memory_space<semaphore_mem>>) src(%dma_wait3A_45 : memref<2048x16xf32, #tpu.memory_space<hbm>>) dst(%arg8 : memref<2048x16xf32, #tpu.memory_space<vmem>>)
    %add3A_46 = arith.constant 49152 : i32
    %add3A_47 = arith.addi %mul3A_2, %add3A_46 : i32
    "tpu.region"() ({
      %run_scoped3A = tpu.sem_alloc : memref<!tpu.dma_semaphore, #tpu.memory_space<semaphore_mem>>
      %dma_start3A_92 = tpu.memref_slice %arg3[%add3A_47] : memref<1638400xi32, #tpu.memory_space<hbm>> -> memref<2048xi32, #tpu.memory_space<hbm>>
      %dma_start3A_93 = tpu.memref_slice %arg3[%add3A_47] : memref<1638400xi32, #tpu.memory_space<hbm>> -> memref<2048xi32, #tpu.memory_space<hbm>>
      tpu.enqueue_dma source(%dma_start3A_93 : memref<2048xi32, #tpu.memory_space<hbm>>) target(%arg6 : memref<2048xi32, #tpu.memory_space<vmem>>) target_semaphore(%run_scoped3A : memref<!tpu.dma_semaphore, #tpu.memory_space<semaphore_mem>>)
      %dma_wait3A_94 = tpu.memref_slice %arg3[%add3A_47] : memref<1638400xi32, #tpu.memory_space<hbm>> -> memref<2048xi32, #tpu.memory_space<hbm>>
      %dma_wait3A_95 = tpu.memref_slice %arg3[%add3A_47] : memref<1638400xi32, #tpu.memory_space<hbm>> -> memref<2048xi32, #tpu.memory_space<hbm>>
      tpu.wait_dma2 semaphore(%run_scoped3A : memref<!tpu.dma_semaphore, #tpu.memory_space<semaphore_mem>>) src(%dma_wait3A_95 : memref<2048xi32, #tpu.memory_space<hbm>>) dst(%arg6 : memref<2048xi32, #tpu.memory_space<vmem>>)
      tpu.yield
    }) : () -> ()
    "tpu.region"() ({
      %run_scoped3A = tpu.sem_alloc : memref<!tpu.dma_semaphore, #tpu.memory_space<semaphore_mem>>
      %dma_start3A_92 = tpu.memref_slice %arg4[%add3A_47] : memref<1638400xi32, #tpu.memory_space<hbm>> -> memref<2048xi32, #tpu.memory_space<hbm>>
      %dma_start3A_93 = tpu.memref_slice %arg4[%add3A_47] : memref<1638400xi32, #tpu.memory_space<hbm>> -> memref<2048xi32, #tpu.memory_space<hbm>>
      tpu.enqueue_dma source(%dma_start3A_93 : memref<2048xi32, #tpu.memory_space<hbm>>) target(%arg7 : memref<2048xi32, #tpu.memory_space<vmem>>) target_semaphore(%run_scoped3A : memref<!tpu.dma_semaphore, #tpu.memory_space<semaphore_mem>>)
      %dma_wait3A_94 = tpu.memref_slice %arg4[%add3A_47] : memref<1638400xi32, #tpu.memory_space<hbm>> -> memref<2048xi32, #tpu.memory_space<hbm>>
      %dma_wait3A_95 = tpu.memref_slice %arg4[%add3A_47] : memref<1638400xi32, #tpu.memory_space<hbm>> -> memref<2048xi32, #tpu.memory_space<hbm>>
      tpu.wait_dma2 semaphore(%run_scoped3A : memref<!tpu.dma_semaphore, #tpu.memory_space<semaphore_mem>>) src(%dma_wait3A_95 : memref<2048xi32, #tpu.memory_space<hbm>>) dst(%arg7 : memref<2048xi32, #tpu.memory_space<vmem>>)
      tpu.yield
    }) : () -> ()
    %dma_start3A_48 = arith.constant 0 : i32
    %dma_start3A_49 = arith.constant 0 : i32
    %dma_start3A_50 = tpu.memref_slice %arg2[%dma_start3A_48, %dma_start3A_49] : memref<50000x16xf32, #tpu.memory_space<hbm>> -> memref<50000x16xf32, #tpu.memory_space<hbm>>
    tpu.enqueue_indirect_dma source(%dma_start3A_50 : memref<50000x16xf32, #tpu.memory_space<hbm>>) target(%arg8 : memref<2048x16xf32, #tpu.memory_space<vmem>>) offsets(%arg6 : memref<2048xi32, #tpu.memory_space<vmem>>) semaphore(%arg13 : memref<!tpu.dma_semaphore, #tpu.memory_space<semaphore_mem>>)
    %dma_wait3A_51 = arith.constant 0 : i32
    %dma_wait3A_52 = arith.constant 0 : i32
    %dma_wait3A_53 = tpu.memref_slice %arg2[%dma_wait3A_51, %dma_wait3A_52] : memref<50000x16xf32, #tpu.memory_space<hbm>> -> memref<50000x16xf32, #tpu.memory_space<hbm>>
    tpu.wait_indirect_dma semaphore(%arg13 : memref<!tpu.dma_semaphore, #tpu.memory_space<semaphore_mem>>) src(%dma_wait3A_53 : memref<50000x16xf32, #tpu.memory_space<hbm>>) dst(%arg8 : memref<2048x16xf32, #tpu.memory_space<vmem>>)
    %dma_start3A_54 = arith.constant 0 : i32
    %dma_start3A_55 = arith.constant 0 : i32
    %dma_start3A_56 = tpu.memref_slice %arg12[%dma_start3A_54, %dma_start3A_55] : memref<50048x16xf32, #tpu.memory_space<vmem_shared>> -> memref<50048x16xf32, #tpu.memory_space<vmem_shared>>
    tpu.enqueue_indirect_dma source(%arg8 : memref<2048x16xf32, #tpu.memory_space<vmem>>) target(%dma_start3A_56 : memref<50048x16xf32, #tpu.memory_space<vmem_shared>>) offsets(%arg7 : memref<2048xi32, #tpu.memory_space<vmem>>) semaphore(%arg14 : memref<!tpu.dma_semaphore, #tpu.memory_space<semaphore_mem>>) {add = true}
    %dma_wait3A_57 = arith.constant 0 : i32
    %dma_wait3A_58 = arith.constant 0 : i32
    %dma_wait3A_59 = tpu.memref_slice %arg2[%dma_wait3A_57, %dma_wait3A_58] : memref<50000x16xf32, #tpu.memory_space<hbm>> -> memref<2048x16xf32, #tpu.memory_space<hbm>>
    %dma_wait3A_60 = arith.constant 0 : i32
    %dma_wait3A_61 = arith.constant 0 : i32
    %dma_wait3A_62 = tpu.memref_slice %arg2[%dma_wait3A_60, %dma_wait3A_61] : memref<50000x16xf32, #tpu.memory_space<hbm>> -> memref<2048x16xf32, #tpu.memory_space<hbm>>
    tpu.wait_dma2 semaphore(%arg14 : memref<!tpu.dma_semaphore, #tpu.memory_space<semaphore_mem>>) src(%dma_wait3A_62 : memref<2048x16xf32, #tpu.memory_space<hbm>>) dst(%arg8 : memref<2048x16xf32, #tpu.memory_space<vmem>>)
    %dma_wait3A_63 = arith.constant 0 : i32
    %dma_wait3A_64 = arith.constant 0 : i32
    %dma_wait3A_65 = tpu.memref_slice %arg2[%dma_wait3A_63, %dma_wait3A_64] : memref<50000x16xf32, #tpu.memory_space<hbm>> -> memref<2048x16xf32, #tpu.memory_space<hbm>>
    %dma_wait3A_66 = arith.constant 0 : i32
    %dma_wait3A_67 = arith.constant 0 : i32
    %dma_wait3A_68 = tpu.memref_slice %arg2[%dma_wait3A_66, %dma_wait3A_67] : memref<50000x16xf32, #tpu.memory_space<hbm>> -> memref<2048x16xf32, #tpu.memory_space<hbm>>
    tpu.wait_dma2 semaphore(%arg15 : memref<!tpu.dma_semaphore, #tpu.memory_space<semaphore_mem>>) src(%dma_wait3A_68 : memref<2048x16xf32, #tpu.memory_space<hbm>>) dst(%arg11 : memref<2048x16xf32, #tpu.memory_space<vmem>>)
    %barrier3A_69 = arith.constant 0 : index
    tpu.barrier barrier_id(%barrier3A_69)
    %mul3A_70 = arith.constant 3128 : i32
    %mul3A_71 = arith.muli %arg1, %mul3A_70 : i32
    %add3A_72 = arith.constant 0 : i32
    %add3A_73 = arith.addi %mul3A_71, %add3A_72 : i32
    "tpu.region"() ({
      %run_scoped3A = tpu.sem_alloc : memref<!tpu.dma_semaphore, #tpu.memory_space<semaphore_mem>>
      %dma_start3A_92 = arith.constant 0 : i32
      %dma_start3A_93 = arith.constant 0 : i32
      %dma_start3A_94 = tpu.memref_slice %arg8[%dma_start3A_92, %dma_start3A_93] : memref<2048x16xf32, #tpu.memory_space<vmem>> -> memref<2048x16xf32, #tpu.memory_space<vmem>>
      %dma_start3A_95 = arith.constant 0 : i32
      %dma_start3A_96 = tpu.memref_slice %arg12[%add3A_73, %dma_start3A_95] : memref<50048x16xf32, #tpu.memory_space<vmem_shared>> -> memref<2048x16xf32, #tpu.memory_space<vmem_shared>>
      %dma_start3A_97 = arith.constant 0 : i32
      %dma_start3A_98 = arith.constant 0 : i32
      %dma_start3A_99 = tpu.memref_slice %arg8[%dma_start3A_97, %dma_start3A_98] : memref<2048x16xf32, #tpu.memory_space<vmem>> -> memref<2048x16xf32, #tpu.memory_space<vmem>>
      %dma_start3A_100 = arith.constant 0 : i32
      %dma_start3A_101 = tpu.memref_slice %arg12[%add3A_73, %dma_start3A_100] : memref<50048x16xf32, #tpu.memory_space<vmem_shared>> -> memref<2048x16xf32, #tpu.memory_space<vmem_shared>>
      tpu.enqueue_dma source(%dma_start3A_101 : memref<2048x16xf32, #tpu.memory_space<vmem_shared>>) target(%dma_start3A_99 : memref<2048x16xf32, #tpu.memory_space<vmem>>) target_semaphore(%run_scoped3A : memref<!tpu.dma_semaphore, #tpu.memory_space<semaphore_mem>>)
      %dma_wait3A_102 = arith.constant 0 : i32
      %dma_wait3A_103 = arith.constant 0 : i32
      %dma_wait3A_104 = tpu.memref_slice %arg8[%dma_wait3A_102, %dma_wait3A_103] : memref<2048x16xf32, #tpu.memory_space<vmem>> -> memref<2048x16xf32, #tpu.memory_space<vmem>>
      %dma_wait3A_105 = arith.constant 0 : i32
      %dma_wait3A_106 = tpu.memref_slice %arg12[%add3A_73, %dma_wait3A_105] : memref<50048x16xf32, #tpu.memory_space<vmem_shared>> -> memref<2048x16xf32, #tpu.memory_space<vmem_shared>>
      %dma_wait3A_107 = arith.constant 0 : i32
      %dma_wait3A_108 = arith.constant 0 : i32
      %dma_wait3A_109 = tpu.memref_slice %arg8[%dma_wait3A_107, %dma_wait3A_108] : memref<2048x16xf32, #tpu.memory_space<vmem>> -> memref<2048x16xf32, #tpu.memory_space<vmem>>
      %dma_wait3A_110 = arith.constant 0 : i32
      %dma_wait3A_111 = tpu.memref_slice %arg12[%add3A_73, %dma_wait3A_110] : memref<50048x16xf32, #tpu.memory_space<vmem_shared>> -> memref<2048x16xf32, #tpu.memory_space<vmem_shared>>
      tpu.wait_dma2 semaphore(%run_scoped3A : memref<!tpu.dma_semaphore, #tpu.memory_space<semaphore_mem>>) src(%dma_wait3A_111 : memref<2048x16xf32, #tpu.memory_space<vmem_shared>>) dst(%dma_wait3A_109 : memref<2048x16xf32, #tpu.memory_space<vmem>>)
      tpu.yield
    }) : () -> ()
    %mul3A_74 = arith.constant 50048 : i32
    %mul3A_75 = arith.muli %arg0, %mul3A_74 : i32
    %mul3A_76 = arith.constant 3128 : i32
    %mul3A_77 = arith.muli %arg1, %mul3A_76 : i32
    %add3A_78 = arith.addi %mul3A_75, %mul3A_77 : i32
    %add3A_79 = arith.constant 0 : i32
    %add3A_80 = arith.addi %add3A_78, %add3A_79 : i32
    "tpu.region"() ({
      %run_scoped3A = tpu.sem_alloc : memref<!tpu.dma_semaphore, #tpu.memory_space<semaphore_mem>>
      %dma_start3A_92 = arith.constant 0 : i32
      %dma_start3A_93 = arith.constant 0 : i32
      %dma_start3A_94 = tpu.memref_slice %arg8[%dma_start3A_92, %dma_start3A_93] : memref<2048x16xf32, #tpu.memory_space<vmem>> -> memref<2048x16xf32, #tpu.memory_space<vmem>>
      %dma_start3A_95 = arith.constant 0 : i32
      %dma_start3A_96 = tpu.memref_slice %arg5[%add3A_80, %dma_start3A_95] : memref<100096x16xf32, #tpu.memory_space<hbm>> -> memref<2048x16xf32, #tpu.memory_space<hbm>>
      %dma_start3A_97 = arith.constant 0 : i32
      %dma_start3A_98 = tpu.memref_slice %arg5[%add3A_80, %dma_start3A_97] : memref<100096x16xf32, #tpu.memory_space<hbm>> -> memref<2048x16xf32, #tpu.memory_space<hbm>>
      %dma_start3A_99 = arith.constant 0 : i32
      %dma_start3A_100 = arith.constant 0 : i32
      %dma_start3A_101 = tpu.memref_slice %arg8[%dma_start3A_99, %dma_start3A_100] : memref<2048x16xf32, #tpu.memory_space<vmem>> -> memref<2048x16xf32, #tpu.memory_space<vmem>>
      tpu.enqueue_dma source(%dma_start3A_101 : memref<2048x16xf32, #tpu.memory_space<vmem>>) target(%dma_start3A_98 : memref<2048x16xf32, #tpu.memory_space<hbm>>) target_semaphore(%run_scoped3A : memref<!tpu.dma_semaphore, #tpu.memory_space<semaphore_mem>>)
      %dma_wait3A_102 = arith.constant 0 : i32
      %dma_wait3A_103 = arith.constant 0 : i32
      %dma_wait3A_104 = tpu.memref_slice %arg8[%dma_wait3A_102, %dma_wait3A_103] : memref<2048x16xf32, #tpu.memory_space<vmem>> -> memref<2048x16xf32, #tpu.memory_space<vmem>>
      %dma_wait3A_105 = arith.constant 0 : i32
      %dma_wait3A_106 = tpu.memref_slice %arg5[%add3A_80, %dma_wait3A_105] : memref<100096x16xf32, #tpu.memory_space<hbm>> -> memref<2048x16xf32, #tpu.memory_space<hbm>>
      %dma_wait3A_107 = arith.constant 0 : i32
      %dma_wait3A_108 = tpu.memref_slice %arg5[%add3A_80, %dma_wait3A_107] : memref<100096x16xf32, #tpu.memory_space<hbm>> -> memref<2048x16xf32, #tpu.memory_space<hbm>>
      %dma_wait3A_109 = arith.constant 0 : i32
      %dma_wait3A_110 = arith.constant 0 : i32
      %dma_wait3A_111 = tpu.memref_slice %arg8[%dma_wait3A_109, %dma_wait3A_110] : memref<2048x16xf32, #tpu.memory_space<vmem>> -> memref<2048x16xf32, #tpu.memory_space<vmem>>
      tpu.wait_dma2 semaphore(%run_scoped3A : memref<!tpu.dma_semaphore, #tpu.memory_space<semaphore_mem>>) src(%dma_wait3A_111 : memref<2048x16xf32, #tpu.memory_space<vmem>>) dst(%dma_wait3A_108 : memref<2048x16xf32, #tpu.memory_space<hbm>>)
      tpu.yield
    }) : () -> ()
    %mul3A_81 = arith.constant 3128 : i32
    %mul3A_82 = arith.muli %arg1, %mul3A_81 : i32
    %add3A_83 = arith.constant 2048 : i32
    %add3A_84 = arith.addi %mul3A_82, %add3A_83 : i32
    "tpu.region"() ({
      %run_scoped3A = tpu.sem_alloc : memref<!tpu.dma_semaphore, #tpu.memory_space<semaphore_mem>>
      %dma_start3A_92 = arith.constant 0 : i32
      %dma_start3A_93 = arith.constant 0 : i32
      %dma_start3A_94 = tpu.memref_slice %arg8[%dma_start3A_92, %dma_start3A_93] : memref<2048x16xf32, #tpu.memory_space<vmem>> -> memref<1080x16xf32, #tpu.memory_space<vmem>>
      %dma_start3A_95 = arith.constant 0 : i32
      %dma_start3A_96 = tpu.memref_slice %arg12[%add3A_84, %dma_start3A_95] : memref<50048x16xf32, #tpu.memory_space<vmem_shared>> -> memref<1080x16xf32, #tpu.memory_space<vmem_shared>>
      %dma_start3A_97 = arith.constant 0 : i32
      %dma_start3A_98 = arith.constant 0 : i32
      %dma_start3A_99 = tpu.memref_slice %arg8[%dma_start3A_97, %dma_start3A_98] : memref<2048x16xf32, #tpu.memory_space<vmem>> -> memref<1080x16xf32, #tpu.memory_space<vmem>>
      %dma_start3A_100 = arith.constant 0 : i32
      %dma_start3A_101 = tpu.memref_slice %arg12[%add3A_84, %dma_start3A_100] : memref<50048x16xf32, #tpu.memory_space<vmem_shared>> -> memref<1080x16xf32, #tpu.memory_space<vmem_shared>>
      tpu.enqueue_dma source(%dma_start3A_101 : memref<1080x16xf32, #tpu.memory_space<vmem_shared>>) target(%dma_start3A_99 : memref<1080x16xf32, #tpu.memory_space<vmem>>) target_semaphore(%run_scoped3A : memref<!tpu.dma_semaphore, #tpu.memory_space<semaphore_mem>>)
      %dma_wait3A_102 = arith.constant 0 : i32
      %dma_wait3A_103 = arith.constant 0 : i32
      %dma_wait3A_104 = tpu.memref_slice %arg8[%dma_wait3A_102, %dma_wait3A_103] : memref<2048x16xf32, #tpu.memory_space<vmem>> -> memref<1080x16xf32, #tpu.memory_space<vmem>>
      %dma_wait3A_105 = arith.constant 0 : i32
      %dma_wait3A_106 = tpu.memref_slice %arg12[%add3A_84, %dma_wait3A_105] : memref<50048x16xf32, #tpu.memory_space<vmem_shared>> -> memref<1080x16xf32, #tpu.memory_space<vmem_shared>>
      %dma_wait3A_107 = arith.constant 0 : i32
      %dma_wait3A_108 = arith.constant 0 : i32
      %dma_wait3A_109 = tpu.memref_slice %arg8[%dma_wait3A_107, %dma_wait3A_108] : memref<2048x16xf32, #tpu.memory_space<vmem>> -> memref<1080x16xf32, #tpu.memory_space<vmem>>
      %dma_wait3A_110 = arith.constant 0 : i32
      %dma_wait3A_111 = tpu.memref_slice %arg12[%add3A_84, %dma_wait3A_110] : memref<50048x16xf32, #tpu.memory_space<vmem_shared>> -> memref<1080x16xf32, #tpu.memory_space<vmem_shared>>
      tpu.wait_dma2 semaphore(%run_scoped3A : memref<!tpu.dma_semaphore, #tpu.memory_space<semaphore_mem>>) src(%dma_wait3A_111 : memref<1080x16xf32, #tpu.memory_space<vmem_shared>>) dst(%dma_wait3A_109 : memref<1080x16xf32, #tpu.memory_space<vmem>>)
      tpu.yield
    }) : () -> ()
    %mul3A_85 = arith.constant 50048 : i32
    %mul3A_86 = arith.muli %arg0, %mul3A_85 : i32
    %mul3A_87 = arith.constant 3128 : i32
    %mul3A_88 = arith.muli %arg1, %mul3A_87 : i32
    %add3A_89 = arith.addi %mul3A_86, %mul3A_88 : i32
    %add3A_90 = arith.constant 2048 : i32
    %add3A_91 = arith.addi %add3A_89, %add3A_90 : i32
    "tpu.region"() ({
      %run_scoped3A = tpu.sem_alloc : memref<!tpu.dma_semaphore, #tpu.memory_space<semaphore_mem>>
      %dma_start3A_92 = arith.constant 0 : i32
      %dma_start3A_93 = arith.constant 0 : i32
      %dma_start3A_94 = tpu.memref_slice %arg8[%dma_start3A_92, %dma_start3A_93] : memref<2048x16xf32, #tpu.memory_space<vmem>> -> memref<1080x16xf32, #tpu.memory_space<vmem>>
      %dma_start3A_95 = arith.constant 0 : i32
      %dma_start3A_96 = tpu.memref_slice %arg5[%add3A_91, %dma_start3A_95] : memref<100096x16xf32, #tpu.memory_space<hbm>> -> memref<1080x16xf32, #tpu.memory_space<hbm>>
      %dma_start3A_97 = arith.constant 0 : i32
      %dma_start3A_98 = tpu.memref_slice %arg5[%add3A_91, %dma_start3A_97] : memref<100096x16xf32, #tpu.memory_space<hbm>> -> memref<1080x16xf32, #tpu.memory_space<hbm>>
      %dma_start3A_99 = arith.constant 0 : i32
      %dma_start3A_100 = arith.constant 0 : i32
      %dma_start3A_101 = tpu.memref_slice %arg8[%dma_start3A_99, %dma_start3A_100] : memref<2048x16xf32, #tpu.memory_space<vmem>> -> memref<1080x16xf32, #tpu.memory_space<vmem>>
      tpu.enqueue_dma source(%dma_start3A_101 : memref<1080x16xf32, #tpu.memory_space<vmem>>) target(%dma_start3A_98 : memref<1080x16xf32, #tpu.memory_space<hbm>>) target_semaphore(%run_scoped3A : memref<!tpu.dma_semaphore, #tpu.memory_space<semaphore_mem>>)
      %dma_wait3A_102 = arith.constant 0 : i32
      %dma_wait3A_103 = arith.constant 0 : i32
      %dma_wait3A_104 = tpu.memref_slice %arg8[%dma_wait3A_102, %dma_wait3A_103] : memref<2048x16xf32, #tpu.memory_space<vmem>> -> memref<1080x16xf32, #tpu.memory_space<vmem>>
      %dma_wait3A_105 = arith.constant 0 : i32
      %dma_wait3A_106 = tpu.memref_slice %arg5[%add3A_91, %dma_wait3A_105] : memref<100096x16xf32, #tpu.memory_space<hbm>> -> memref<1080x16xf32, #tpu.memory_space<hbm>>
      %dma_wait3A_107 = arith.constant 0 : i32
      %dma_wait3A_108 = tpu.memref_slice %arg5[%add3A_91, %dma_wait3A_107] : memref<100096x16xf32, #tpu.memory_space<hbm>> -> memref<1080x16xf32, #tpu.memory_space<hbm>>
      %dma_wait3A_109 = arith.constant 0 : i32
      %dma_wait3A_110 = arith.constant 0 : i32
      %dma_wait3A_111 = tpu.memref_slice %arg8[%dma_wait3A_109, %dma_wait3A_110] : memref<2048x16xf32, #tpu.memory_space<vmem>> -> memref<1080x16xf32, #tpu.memory_space<vmem>>
      tpu.wait_dma2 semaphore(%run_scoped3A : memref<!tpu.dma_semaphore, #tpu.memory_space<semaphore_mem>>) src(%dma_wait3A_111 : memref<1080x16xf32, #tpu.memory_space<vmem>>) dst(%dma_wait3A_108 : memref<1080x16xf32, #tpu.memory_space<hbm>>)
      tpu.yield
    }) : () -> ()
    return
  }
}

</mosaic_0001>

<sc_bundles>
// kernel: _prop.3.cloned.1.call-start
scs
__scs_entry_jumppad:
0x0: {  	(pc) =	sbr.rel $0x88, $3  }
0x1: {  	(tag) =	ssettag $0x0;
	lr =	simm.s32 $0x1  }
0x2: {  	[smem:$0x3F9E] =	sst lr;
	_ =	strace $0xD0000000  }
0x3: {  	_ = 	snop  }
0x4: {  	_ = 	snop  }
0x5: {  	_ = 	snop  }
0x6: {  	_ = 	snop  }
0x7: {  	_ = 	snop  }
__scs_overlays_trampoline_lowered:
0x8: {  	[smem:$0x3FAD] =	sst s0  }
0x9: {  	[smem:$0x3FAE] =	sst s1  }
0xa: {  	[smem:$0x3FAF] =	sst s2  }
0xb: {  	[smem:$0x3FB0] =	sst s3  }
0xc: {  	[smem:$0x3FB1] =	sst s4  }
0xd: {  	[smem:$0x3FB2] =	sst s5  }
0xe: {  	[smem:$0x3FB3] =	sst s6  }
0xf: {  	[smem:$0x3FB4] =	sst s7  }
0x10: {  	[smem:$0x3FB5] =	sst s8  }
0x11: {  	[smem:$0x3FB6] =	sst s9;
	s0 =	simm.s32 @!p0 $0x0  }
0x12: {  	s1 =	sld [smem:$0x3F9C];
	s0 =	simm.s32 @p0 $0x1  }
0x13: {  	[smem:$0x3FB7] =	sst s0;
	s0 =	simm.s32 @!p1 $0x0  }
0x14: {  	s2 =	sld [smem:$0x3F9B];
	s0 =	simm.s32 @p1 $0x1  }
0x15: {  	[smem:$0x3FB8] =	sst s0;
	s0 =	simm.s32 @!p2 $0x0  }
0x16: {  	s3 =	sld [smem:$0x3FDB];
	s0 =	simm.s32 @p2 $0x1  }
0x17: {  	s4 =	simm.s32 $0x1BF5;
	[smem:$0x3FBA] =	sst s0  }
0x18: {  	s0 =	sld [smem:$0x3F9D];
	_ =	swait.ge [sflag:s4], $0x0  }
0x19: {  	s7 =	sld [smem:$0x3F9E]  }
0x1a: {  	s8 =	sadd.s32 $0xFFFFE003, lr  }
0x1b: {  	s9 =	sadd.s32 $0xFFFFFEF7, lr;
	s5 =	simm.s32 $0xFFFFFFFF;
	p2 =	slt.u32 s8, $0xFFFFF086  }
0x1c: {  	p1 =	slt.u32 s9, $0xF7A;
	s5 =	simm.s32 @!p2 $0x0  }
0x1d: {  	s5 =	simm.s32 @p1 $0x1;
	p0 =	seq.s32 s7, s2  }
0x1e: {  	s7 =	smul.u32 @!p0 $0xF7A, s2;
	p2 =	seq.s32 @!p0 s5, $0x0  }
0x1f: {  	s9 =	smul.u32 $0xF7A, s1;
	s8 =	simm.s32 @!p0 $0x1BF5;
	p2 =	por !p2, p0  }
0x20: {  	[sflag:s8] =	ssyncset.s32 @!p0 $0xFFFFF086;
	s6 =	sadd.s32 @!p0 s3, s7;
	s7 =	simm.s32 @!p0 $0x108  }
0x21: {  	s3 =	sadd.s32 s3, s9;
	s6 =	sadd.s32 @!p0 $0x88, s6;
	s7 =	simm.s32 @p2 $0x1082  }
0x22: {  	[simem:s7], [sflag:s8] =	dma.local @!p0 [hbm:s6], $0xF7A  }
0x23: {  	s9 =	sor.u32 $0xD0000000, s2;
	s6 =	simm.s32 $0x108;
	_ =	swait.ge @!p0 [sflag:s8], $0x0  }
0x24: {  	s3 =	sadd.s32 $0x88, s3;
	s6 =	simm.s32 @!p1 $0x1082;
	[sflag:s4] =	ssyncset.s32 $0xFFFFF086  }
0x25: {  	[simem:s6], [sflag:s4] =	dma.local [hbm:s3], $0xF7A  }
0x26: {  	[smem:$0x3F9E] =	sst s1;
	(tag) =	ssettag s2;
	_ =	strace s9  }
0x27: {  	s1 =	sld [smem:$0x3FAE]  }
0x28: {  	s2 =	sld [smem:$0x3FAF]  }
0x29: {  	s4 =	sld [smem:$0x3FB1]  }
0x2a: {  	p0 =	seq.s32 s5, $0x0;
	s5 =	sld [smem:$0x3FB2]  }
0x2b: {  	s6 =	sld [smem:$0x3FB3]  }
0x2c: {  	s7 =	sld [smem:$0x3FB4]  }
0x2d: {  	s3 =	simm.s32 $0x108;
	s8 =	sld [smem:$0x3FB5]  }
0x2e: {  	s3 =	simm.s32 @!p0 $0x1082;
	s9 =	sld [smem:$0x3FB6]  }
0x2f: {  	lr =	sadd.s32 s0, s3;
	s0 =	sld [smem:$0x3FAD]  }
0x30: {  	s3 =	sld [smem:$0x3FB0]  }
0x31: {  	[smem:$0x3FB9] =	sst s10  }
0x32: {  	s10 =	sld [smem:$0x3FB7];
	_ =	sdelay $0x3  }
0x33: {  	p0 =	seq.s32 s10, $0x1;
	s10 =	sld [smem:$0x3FB9];
	_ =	sdelay $0x3  }
0x34: {  	[smem:$0x3FB9] =	sst s10  }
0x35: {  	s10 =	sld [smem:$0x3FB8];
	_ =	sdelay $0x3  }
0x36: {  	p1 =	seq.s32 s10, $0x1;
	s10 =	sld [smem:$0x3FB9];
	_ =	sdelay $0x3  }
0x37: {  	[smem:$0x3FB9] =	sst s10  }
0x38: {  	s10 =	sld [smem:$0x3FBA]  }
0x39: {  	_ = 	snop;
	(pc) =	sbr.ind lr, $3  }
0x3a: {  	_ = 	snop  }
0x3b: {  	_ = 	snop  }
0x3c: {  	p2 =	seq.s32 s10, $0x1;
	s10 =	sld [smem:$0x3FB9]  }
0x3d: {  	_ =	shalt  }
0x3e: {  	_ =	shalt  }
0x3f: {  	_ =	shalt  }
0x40: {  	_ =	shalt  }
0x41: {  	_ =	shalt  }
0x42: {  	_ =	shalt  }
0x43: {  	_ =	shalt  }
0x44: {  	_ =	shalt  }
0x45: {  	_ =	shalt  }
0x46: {  	_ =	shalt  }
0x47: {  	_ =	shalt  }
0x48: {  	_ =	shalt  }
0x49: {  	_ =	shalt  }
0x4a: {  	_ =	shalt  }
0x4b: {  	_ =	shalt  }
0x4c: {  	_ =	shalt  }
0x4d: {  	_ =	shalt  }
0x4e: {  	_ =	shalt  }
0x4f: {  	_ =	shalt  }
0x50: {  	_ =	shalt  }
0x51: {  	_ =	shalt  }
0x52: {  	_ =	shalt  }
0x53: {  	_ =	shalt  }
0x54: {  	_ =	shalt  }
0x55: {  	_ =	shalt  }
0x56: {  	_ =	shalt  }
0x57: {  	_ =	shalt  }
0x58: {  	_ =	shalt  }
0x59: {  	_ =	shalt  }
0x5a: {  	_ =	shalt  }
0x5b: {  	_ =	shalt  }
0x5c: {  	_ =	shalt  }
0x5d: {  	_ =	shalt  }
0x5e: {  	_ =	shalt  }
0x5f: {  	_ =	shalt  }
0x60: {  	_ =	shalt  }
0x61: {  	_ =	shalt  }
0x62: {  	_ =	shalt  }
0x63: {  	_ =	shalt  }
0x64: {  	_ =	shalt  }
0x65: {  	_ =	shalt  }
0x66: {  	_ =	shalt  }
0x67: {  	_ =	shalt  }
0x68: {  	_ =	shalt  }
0x69: {  	_ =	shalt  }
0x6a: {  	_ =	shalt  }
0x6b: {  	_ =	shalt  }
0x6c: {  	_ =	shalt  }
0x6d: {  	_ =	shalt  }
0x6e: {  	_ =	shalt  }
0x6f: {  	_ =	shalt  }
0x70: {  	_ =	shalt  }
0x71: {  	_ =	shalt  }
0x72: {  	_ =	shalt  }
0x73: {  	_ =	shalt  }
0x74: {  	_ =	shalt  }
0x75: {  	_ =	shalt  }
0x76: {  	_ =	shalt  }
0x77: {  	_ =	shalt  }
0x78: {  	_ =	shalt  }
0x79: {  	_ =	shalt  }
0x7a: {  	_ =	shalt  }
0x7b: {  	_ =	shalt  }
0x7c: {  	_ =	shalt  }
0x7d: {  	_ =	shalt  }
0x7e: {  	_ =	shalt  }
0x7f: {  	_ =	shalt  }
0x80: {  	_ =	shalt  }
0x81: {  	_ =	shalt  }
0x82: {  	_ =	shalt  }
0x83: {  	_ =	shalt  }
0x84: {  	_ =	shalt  }
0x85: {  	_ =	shalt  }
0x86: {  	_ =	shalt  }
0x87: {  	_ =	shalt  }
.Lfunc_end0:
.L_simem_size_0:
called_computation_lowered:
.L_overlay_start_0:
0x88: {  	s2 =	sld [smem:$0x3FD9]  }
0x89: {  	s3 =	sld [smem:$0x3FFE];
	_ =	sdelay $0x1  }
0x8a: {  	s1 =	srdreg.scid  }
0x8b: {  	s0 =	sand.u32 $0x1, s1  }
0x8c: {  	s17 =	sshll.u32 s0, $0xA;
	s2 =	sadd.s32 s3, s2  }
0x8d: {  	s2 =	sadd.s32 s2, s17  }
0x8e: {  	[smem:$0x3FC5] =	sst s2  }
0x8f: {  	_ = 	snop  }
0x90: {  	s2 =	sld [smem:$0x3FC8]  }
0x91: {  	s18 =	sld [smem:$0x3FC7]  }
0x92: {  	s4 =	sld [smem:$0x3FD0];
	(tm) =	ssettm $0x1  }
0x93: {  	s5 =	sld [smem:$0x3FFB];
	_ =	sdelay $0x3  }
0x94: {  	_ =	strace s5  }
0x95: {  	s5 =	sld [smem:$0x3FFC];
	_ =	sdelay $0x3  }
0x96: {  	_ =	strace s5  }
0x97: {  	s5 =	sld [smem:$0x3FFD];
	_ =	sdelay $0x3  }
0x98: {  	_ =	strace s5  }
0x99: {  	_ =	strace $0x8FFFFFFF  }
0x9a: {  	s19 =	sld [smem:$0x3FDB];
	_ =	sdelay $0x1  }
0x9b: {  	s6 =	simm.s32 $_scs_section_size  }
0x9c: {  	s7 =	simm.s32 $_size__tile_overlayer_lowered;
	s8 =	simm.s32 $_tile_overlayer_lowered  }
0x9d: {  	s22 =	simm.s32 $0x1BFF;
	s21 =	sshll.u32 s8, $0x1;
	s5 =	sadd.s32 s6, s19  }
0x9e: {  	s9 =	simm.s32 $0x0;
	s20 =	sshll.u32 s7, $0x1;
	s7 =	sadd.s32 s21, s5  }
0x9f: {  	[timem:s9], [sflag:s22] =	dma.local [hbm:s7], s20  }
0xa0: {  	_ =	swait.ge [sflag:s22], s20  }
0xa1: {  	s6 =	ssub.s32 $0x0, s20;
	[sflag:s22] =	ssyncset.done $0x0  }
0xa2: {  	[sflag:s22] =	ssyncadd.s32 s6;
	_ =	sdelay $0x1  }
0xa3: {  	s23 =	simm.s32 $0x1B8B  }
0xa4: {  	_ =	swait.ge [sflag:s23], $0x1  }
0xa5: {  	[sflag:s23] =	ssyncset.done $0x0  }
0xa6: {  	s25 =	simm.s32 $0x1B8E;
	s24 =	sld [smem:$0x3FFE];
	[sflag:s23] =	ssyncadd.s32 $0xFFFFFFFF  }
0xa7: {  	s26 =	simm.s32 $execute0_lowered;
	[smem:$0x3FD2] =	sst s25  }
0xa8: {  	s7 =	sshll.u32 s26, $0x1;
	_ =	strace $0x80000046;
	[dreg:$0x1] =	wrdreg $0xFFFFFFFF  }
0xa9: {  	s28 =	simm.s32 $_size_execute0_lowered;
	s5 =	sadd.s32 s5, s7;
	[dreg:$0x0] =	wrdreg $0x0  }
0xaa: {  	s7 =	sshll.u32 s28, $0x1;
	[dreg:$0x2] =	wrdreg s5  }
0xab: {  	[dreg:$0x3] =	wrdreg s7  }
0xac: {  	[dreg:$0x4] =	wrdreg $0xC0  }
0xad: {  	_ =	task [dreg:s9], $0x5FFFF  }
0xae: {  	[dreg:$0x1] =	wrdreg $0xFFFFFFFF  }
0xaf: {  	[dreg:$0x0] =	wrdreg $0x60  }
0xb0: {  	[dreg:$0x2] =	wrdreg s24  }
0xb1: {  	[dreg:$0x3] =	wrdreg s2  }
0xb2: {  	[dreg:$0x4] =	wrdreg s18  }
0xb3: {  	[dreg:$0x5] =	wrdreg s4  }
0xb4: {  	[dreg:$0x6] =	wrdreg $0x120000  }
0xb5: {  	[dreg:$0x7] =	wrdreg $0x9  }
0xb6: {  	_ =	task.clear_ibuf [dreg:s9], $0x8FFFF;
	_ =	strace $0x90000046  }
0xb7: {  	s29 =	simm.s32 $0x9;
	_ =	strace $0x80000048  }
0xb8: {  	_ =	swait.ge [sflag:s29], $0x1  }
0xb9: {  	[sflag:s29] =	ssyncadd.s32 $0xFFFFFFFF  }
0xba: {  	_ =	strace $0x90000048  }
0xbb: {  	_ =	sfence  }
0xbc: {  	s30 =	sld [smem:$0x0];
	_ =	sdelay $0x2  }
0xbd: {  	s31 =	sshll.u32 s1, $0xD;
	s1 =	sshrl.u32 s1, $0x2  }
0xbe: {  	s3 =	sand.u32 $0x4000, s31;
	s1 =	sadd.s32 s1, s30  }
0xbf: {  	s0 =	sor.u32 s3, s0;
	s1 =	sshll.u32 s1, $0x11  }
0xc0: {  	s0 =	sor.u32 s1, s0  }
0xc1: {  	s0 =	sadd.s32 $0x8F2B, s0  }
0xc2: {  	[sflag:s0] =	ssyncadd.remote.s32 $0x1  }
0xc3: {  	_ =	sfence.sel $0xFFFF  }
0xc4: {  	[dreg:$0x0] =	wrdreg $0xFFFFFFFF;
	(pc) =	sbr.abs _section_cstart, $3  }
0xc5: {  	[dreg:$0x1] =	wrdreg $0xFFFFFFFF  }
0xc6: {  	_ =	task.clear_ibuf [dreg:s9], $0x2FFFF;
	_ =	strace $0x9FFFFFFF  }
0xc7: {  	(tm) =	ssettm $0x7FFFFFFF  }
tec
execute0_lowered:
.L_overlay_start_1:
0x0: {  	(tag) =	ssettag $0x1  }
0x1: {  	s0 =	rddreg [dreg:$0x0]  }
0x2: {  	s1 =	rddreg [dreg:$0x1]  }
0x3: {  	s2 =	rddreg [dreg:$0x2]  }
0x4: {  	s4 =	rddreg [dreg:$0x3]  }
0x5: {  	s3 =	rddreg [dreg:$0x4]  }
0x6: {  	s6 =	srdreg.scid;
	s5 =	simm.s32 $0x0;
	s11 =	stileid.u32  }
0x7: {  	s28 =	simm.s32 $0xA000;
	s29 =	simm.s32 $0x2;
	s8 =	smul.u32 $0x30E00, s11  }
0x8: {  	s30 =	simm.s32 $0x3;
	s31 =	simm.s32 $0x0;
	s13 =	smul.u32 $0xC38, s11  }
0x9: {  	s9 =	sand.u32 $0x1, s6;
	[smem:$0x7FF] =	sst s5;
	s17 =	smul.u32 $0xC800, s11  }
0xa: {  	s6 =	sshll.u32 s9, $0x4;
	_ =	strace $0x80000047;
	s14 =	smul.u32 $0xC380, s9  }
0xb: {  	s20 =	ssub.s32 $0x2, s9;
	s16 =	smul.u32 $0xC8000, s9;
	s7 =	sor.u32 s11, s6  }
0xc: {  	s6 =	sadd.s32 $0x400, s0;
	s21 =	sshrl.u32 s20, $0x1;
	s8 =	sshrl.u32 s8, $0x2  }
0xd: {  	s10 =	smul.u32 $0xC800, s7;
	s0 =	ssub.s32 s20, s21;
	s7 =	sadd.s32 s8, s3  }
0xe: {  	s14 =	sadd.s32 s13, s14;
	s20 =	sadd.s32 s17, s16;
	s21 =	simm.s32 $0x1000  }
0xf: {  	s8 =	sadd.s32 $0x8000, s7;
	s25 =	sshll.u32 s14, $0x1;
	s17 =	sadd.s32 $0x1800, s20  }
0x10: {  	s20 =	sadd.s32 $0x1000, s20;
	s15 =	sshrl.u32 s10, $0x3;
	s26 =	sshrl.u32 s17, $0x3  }
0x11: {  	s17 =	smax.u32 s0, $0x1;
	s22 =	sadd.s32 s1, s15;
	s12 =	sadd.s32 $0x100, s15  }
0x12: {  	s23 =	sadd.s32 s2, s15;
	s15 =	sadd.s32 $0x1800, s15;
	s18 =	sadd.s32 s26, s2  }
0x13: {  	s19 =	sadd.s32 s26, s1;
	s26 =	simm.s32 $0x9800;
	[dreg:$0x6] =	wrdreg s22  }
0x14: {  	[dreg:$0x7] =	wrdreg s23;
	s24 =	sadd.s32 s1, s12;
	s12 =	sadd.s32 s2, s12  }
0x15: {  	s13 =	sadd.s32 s1, s15;
	s14 =	sadd.s32 s2, s15;
	s15 =	sadd.s32 s4, s25  }
0x16: {  	s22 =	simm.s32 $0x4;
	s23 =	simm.s32 $0x800;
	s25 =	simm.s32 $0x9000  }
0x17: {  	v0 =	vimm.f32 $0.0e+00;
	[dreg:$0x8] =	wrdreg s24;
	s16 =	sadd.s32 $0x1000, s15;
	s24 =	simm.s32 $0x1  }
.LBB2_1:
0x18: {  	s0 =	simm.s32 $0x40;
	s4 =	simm.s32 $0x0  }
.LBB2_2:
0x19: {  	p0 =	sne.s32 s0, $0x1FFC0;
	[tilespmem:s4+$0x1000] =	vst v0;
	s4 =	smov.u32 s0;
	s0 =	sadd.s32 $0x40, s0  }
.Ltmp0:
0x1a: {  	(pc) =	sbr.rel @p0 .LBB2_2-.Ltmp0, $2  }
0x1b: {  	_ =	sdelay $0x2  }
0x1c: {  	s4 =	sshra.s32 s4, $0x2  }
0x1d: {  	[tilespmem:s4+$0x1000] =	vst v0  }
0x1e: {  	[spmem:s7] =	stream.linear.scatter [tilespmem:s21], [sflag:$0x4], $0x8000, $0x38;
	[tilespmem:$0x1E380] =	vst v63  }
0x1f: {  	_ =	swait.ge [sflag:s22], $0x8000  }
0x20: {  	[sflag:s22] =	ssyncset.done $0x0  }
0x21: {  	[sflag:s22] =	ssyncadd.s32 $0xFFFF8000  }
0x22: {  	[spmem:s8] =	stream.linear.scatter [tilespmem:s21], [sflag:$0x4], $0x4380, $0x38;
	[tilespmem:$0x1E380] =	vst v63  }
0x23: {  	_ =	swait.ge [sflag:s22], $0x4380  }
0x24: {  	[sflag:s22] =	ssyncset.done $0x0  }
0x25: {  	[sflag:s22] =	ssyncadd.s32 $0xFFFFBC80  }
0x26: {  	[bflag:$0x0] =	sbarrier.arrive $0xFFFF  }
0x27: {  	s0 =	simm.s32 $0x0;
	s11 =	rddreg [dreg:$0x6]  }
0x28: {  	[tilespmem:s0], [sflag:$0x4] =	stream.linear.gather [hbm4b:s11+s0], $0x800, $0x38;
	[tilespmem:$0x1E380] =	vst v63  }
0x29: {  	_ =	swait.ge [sflag:s22], $0x800  }
0x2a: {  	[sflag:s22] =	ssyncset.done $0x0  }
0x2b: {  	s9 =	rddreg [dreg:$0x7];
	[sflag:s22] =	ssyncadd.s32 $0xFFFFF800  }
0x2c: {  	[tilespmem:s23], [sflag:$0x4] =	stream.linear.gather [hbm4b:s9+s0], $0x800, $0x38;
	[tilespmem:$0x1E380] =	vst v63  }
0x2d: {  	_ =	swait.ge [sflag:s22], $0x800  }
0x2e: {  	[sflag:s22] =	ssyncset.done $0x0  }
0x2f: {  	[sflag:s22] =	ssyncadd.s32 $0xFFFFF800  }
0x30: {  	[tilespmem:s21], [sflag:$0x1] =	stream.indirect.gather [hbm4b:s6+s23], $0x10, s0, s23, $0xb8;
	[tilespmem:$0x1E380] =	vst v63  }
0x31: {  	_ =	swait.ge [sflag:s24], $0x8000  }
0x32: {  	[sflag:s24] =	ssyncset.done $0x0  }
0x33: {  	[sflag:s24] =	ssyncadd.s32 $0xFFFF8000  }
0x34: {  	[spmem:s3] =	stream.indirect.scatter.add.f32 [tilespmem:s21], [sflag:$0x2], $0x10, s23, s23, $0xb8;
	[tilespmem:$0x1E380] =	vst v63  }
0x35: {  	s10 =	rddreg [dreg:$0x8]  }
0x36: {  	[tilespmem:s25], [sflag:$0x4] =	stream.linear.gather [hbm4b:s10+s0], $0x800, $0x38;
	[tilespmem:$0x1E380] =	vst v63  }
0x37: {  	_ =	swait.ge [sflag:s22], $0x800  }
0x38: {  	[sflag:s22] =	ssyncset.done $0x0  }
0x39: {  	[sflag:s22] =	ssyncadd.s32 $0xFFFFF800  }
0x3a: {  	[tilespmem:s26], [sflag:$0x4] =	stream.linear.gather [hbm4b:s12+s0], $0x800, $0x38;
	[tilespmem:$0x1E380] =	vst v63  }
0x3b: {  	_ =	swait.ge [sflag:s22], $0x800  }
0x3c: {  	[sflag:s22] =	ssyncset.done $0x0  }
0x3d: {  	[sflag:s22] =	ssyncadd.s32 $0xFFFFF800  }
0x3e: {  	[tilespmem:s28], [sflag:$0x1] =	stream.indirect.gather [hbm4b:s6+s23], $0x10, s25, s23, $0xb8;
	[tilespmem:$0x1E380] =	vst v63  }
0x3f: {  	_ =	swait.ge [sflag:s24], $0x8000  }
0x40: {  	[sflag:s24] =	ssyncset.done $0x0  }
0x41: {  	[sflag:s24] =	ssyncadd.s32 $0xFFFF8000  }
0x42: {  	[spmem:s3] =	stream.indirect.scatter.add.f32 [tilespmem:s28], [sflag:$0x3], $0x10, s26, s23, $0xb8;
	[tilespmem:$0x1E380] =	vst v63  }
0x43: {  	_ =	swait.ge [sflag:s29], $0x8000  }
0x44: {  	s11 =	sshrl.u32 s20, $0x3;
	[sflag:s29] =	ssyncset.done $0x0  }
0x45: {  	s9 =	sadd.s32 s1, s11;
	[sflag:s29] =	ssyncadd.s32 $0xFFFF8000  }
0x46: {  	[tilespmem:s5], [sflag:$0x4] =	stream.linear.gather [hbm4b:s9+s5], $0x800, $0x38;
	[tilespmem:$0x1E380] =	vst v63  }
0x47: {  	_ =	swait.ge [sflag:s22], $0x800  }
0x48: {  	[sflag:s22] =	ssyncset.done $0x0  }
0x49: {  	s0 =	sadd.s32 s2, s11;
	[sflag:s22] =	ssyncadd.s32 $0xFFFFF800  }
0x4a: {  	[tilespmem:s23], [sflag:$0x4] =	stream.linear.gather [hbm4b:s0+s5], $0x800, $0x38;
	[tilespmem:$0x1E380] =	vst v63  }
0x4b: {  	_ =	swait.ge [sflag:s22], $0x800  }
0x4c: {  	[sflag:s22] =	ssyncset.done $0x0  }
0x4d: {  	[sflag:s22] =	ssyncadd.s32 $0xFFFFF800  }
0x4e: {  	[tilespmem:s21], [sflag:$0x1] =	stream.indirect.gather [hbm4b:s6+s23], $0x10, s5, s23, $0xb8;
	[tilespmem:$0x1E380] =	vst v63  }
0x4f: {  	_ =	swait.ge [sflag:s24], $0x8000  }
0x50: {  	[sflag:s24] =	ssyncset.done $0x0  }
0x51: {  	[sflag:s24] =	ssyncadd.s32 $0xFFFF8000  }
0x52: {  	[spmem:s3] =	stream.indirect.scatter.add.f32 [tilespmem:s21], [sflag:$0x2], $0x10, s23, s23, $0xb8;
	[tilespmem:$0x1E380] =	vst v63  }
0x53: {  	_ =	swait.ge [sflag:s30], $0x8000  }
0x54: {  	[sflag:s30] =	ssyncset.done $0x0  }
0x55: {  	s10 =	sadd.s32 $0x0, s19;
	[sflag:s30] =	ssyncadd.s32 $0xFFFF8000  }
0x56: {  	[tilespmem:s25], [sflag:$0x4] =	stream.linear.gather [hbm4b:s10+s5], $0x800, $0x38;
	[tilespmem:$0x1E380] =	vst v63  }
0x57: {  	_ =	swait.ge [sflag:s22], $0x800  }
0x58: {  	[sflag:s22] =	ssyncset.done $0x0  }
0x59: {  	s11 =	sadd.s32 $0x0, s18;
	[sflag:s22] =	ssyncadd.s32 $0xFFFFF800  }
0x5a: {  	[tilespmem:s26], [sflag:$0x4] =	stream.linear.gather [hbm4b:s11+s5], $0x800, $0x38;
	[tilespmem:$0x1E380] =	vst v63  }
0x5b: {  	_ =	swait.ge [sflag:s22], $0x800  }
0x5c: {  	[sflag:s22] =	ssyncset.done $0x0  }
0x5d: {  	[sflag:s22] =	ssyncadd.s32 $0xFFFFF800  }
0x5e: {  	[tilespmem:s28], [sflag:$0x1] =	stream.indirect.gather [hbm4b:s6+s23], $0x10, s25, s23, $0xb8;
	[tilespmem:$0x1E380] =	vst v63  }
0x5f: {  	_ =	swait.ge [sflag:s24], $0x8000  }
0x60: {  	[sflag:s24] =	ssyncset.done $0x0  }
0x61: {  	s4 =	sadd.s32 $0x1000, s20;
	s0 =	simm.s32 $0x200;
	[sflag:s24] =	ssyncadd.s32 $0xFFFF8000  }
.LBB2_4:
0x62: {  	[spmem:s3] =	stream.indirect.scatter.add.f32 [tilespmem:s28], [sflag:$0x3], $0x10, s26, s23, $0xb8;
	[tilespmem:$0x1E380] =	vst v63  }
0x63: {  	s9 =	smov.u32 s0  }
0x64: {  	p0 =	sne.s32 s0, $0x1400;
	s0 =	sadd.s32 $0x200, s0;
	_ =	swait.ge [sflag:s29], $0x8000  }
0x65: {  	s10 =	sshrl.u32 s4, $0x3;
	[sflag:s29] =	ssyncset.done $0x0  }
0x66: {  	s11 =	sadd.s32 s1, s10;
	[sflag:s29] =	ssyncadd.s32 $0xFFFF8000  }
0x67: {  	[tilespmem:s5], [sflag:$0x4] =	stream.linear.gather [hbm4b:s11+s5], $0x800, $0x38;
	[tilespmem:$0x1E380] =	vst v63  }
0x68: {  	_ =	swait.ge [sflag:s22], $0x800  }
0x69: {  	[sflag:s22] =	ssyncset.done $0x0  }
0x6a: {  	s10 =	sadd.s32 s2, s10;
	[sflag:s22] =	ssyncadd.s32 $0xFFFFF800  }
0x6b: {  	[tilespmem:s23], [sflag:$0x4] =	stream.linear.gather [hbm4b:s10+s5], $0x800, $0x38;
	[tilespmem:$0x1E380] =	vst v63  }
0x6c: {  	_ =	swait.ge [sflag:s22], $0x800  }
0x6d: {  	[sflag:s22] =	ssyncset.done $0x0  }
0x6e: {  	[sflag:s22] =	ssyncadd.s32 $0xFFFFF800  }
0x6f: {  	[tilespmem:s21], [sflag:$0x1] =	stream.indirect.gather [hbm4b:s6+s23], $0x10, s5, s23, $0xb8;
	[tilespmem:$0x1E380] =	vst v63  }
0x70: {  	_ =	swait.ge [sflag:s24], $0x8000  }
0x71: {  	[sflag:s24] =	ssyncset.done $0x0  }
0x72: {  	[sflag:s24] =	ssyncadd.s32 $0xFFFF8000  }
0x73: {  	[spmem:s3] =	stream.indirect.scatter.add.f32 [tilespmem:s21], [sflag:$0x2], $0x10, s23, s23, $0xb8;
	[tilespmem:$0x1E380] =	vst v63  }
0x74: {  	_ =	swait.ge [sflag:s30], $0x8000  }
0x75: {  	[sflag:s30] =	ssyncset.done $0x0  }
0x76: {  	s10 =	sadd.s32 s9, s19;
	[sflag:s30] =	ssyncadd.s32 $0xFFFF8000  }
0x77: {  	[tilespmem:s25], [sflag:$0x4] =	stream.linear.gather [hbm4b:s10+s5], $0x800, $0x38;
	[tilespmem:$0x1E380] =	vst v63  }
0x78: {  	_ =	swait.ge [sflag:s22], $0x800  }
0x79: {  	[sflag:s22] =	ssyncset.done $0x0  }
0x7a: {  	s9 =	sadd.s32 s9, s18;
	[sflag:s22] =	ssyncadd.s32 $0xFFFFF800  }
0x7b: {  	[tilespmem:s26], [sflag:$0x4] =	stream.linear.gather [hbm4b:s9+s5], $0x800, $0x38;
	[tilespmem:$0x1E380] =	vst v63  }
0x7c: {  	_ =	swait.ge [sflag:s22], $0x800  }
0x7d: {  	[sflag:s22] =	ssyncset.done $0x0  }
.Ltmp1:
0x7e: {  	[sflag:s22] =	ssyncadd.s32 $0xFFFFF800;
	(pc) =	sbr.rel @p0 .LBB2_4-.Ltmp1, $4  }
0x7f: {  	[tilespmem:s28], [sflag:$0x1] =	stream.indirect.gather [hbm4b:s6+s23], $0x10, s25, s23, $0xb8;
	[tilespmem:$0x1E380] =	vst v63  }
0x80: {  	_ =	swait.ge [sflag:s24], $0x8000  }
0x81: {  	[sflag:s24] =	ssyncset.done $0x0  }
0x82: {  	s4 =	sadd.s32 $0x1000, s4;
	[sflag:s24] =	ssyncadd.s32 $0xFFFF8000  }
0x83: {  	[spmem:s3] =	stream.indirect.scatter.add.f32 [tilespmem:s28], [sflag:$0x3], $0x10, s26, s23, $0xb8;
	[tilespmem:$0x1E380] =	vst v63  }
0x84: {  	_ =	swait.ge [sflag:s29], $0x8000  }
0x85: {  	[sflag:s29] =	ssyncset.done $0x0  }
0x86: {  	[sflag:s29] =	ssyncadd.s32 $0xFFFF8000  }
0x87: {  	[tilespmem:s5], [sflag:$0x4] =	stream.linear.gather [hbm4b:s13+s5], $0x800, $0x38;
	[tilespmem:$0x1E380] =	vst v63  }
0x88: {  	_ =	swait.ge [sflag:s22], $0x800  }
0x89: {  	[sflag:s22] =	ssyncset.done $0x0  }
0x8a: {  	[sflag:s22] =	ssyncadd.s32 $0xFFFFF800  }
0x8b: {  	[tilespmem:s23], [sflag:$0x4] =	stream.linear.gather [hbm4b:s14+s5], $0x800, $0x38;
	[tilespmem:$0x1E380] =	vst v63  }
0x8c: {  	_ =	swait.ge [sflag:s22], $0x800  }
0x8d: {  	[sflag:s22] =	ssyncset.done $0x0  }
0x8e: {  	[sflag:s22] =	ssyncadd.s32 $0xFFFFF800  }
0x8f: {  	[tilespmem:s21], [sflag:$0x1] =	stream.indirect.gather [hbm4b:s6+s23], $0x10, s5, s23, $0xb8;
	[tilespmem:$0x1E380] =	vst v63  }
0x90: {  	_ =	swait.ge [sflag:s24], $0x8000  }
0x91: {  	[sflag:s24] =	ssyncset.done $0x0  }
0x92: {  	[sflag:s24] =	ssyncadd.s32 $0xFFFF8000  }
0x93: {  	[spmem:s3] =	stream.indirect.scatter.add.f32 [tilespmem:s21], [sflag:$0x2], $0x10, s23, s23, $0xb8;
	[tilespmem:$0x1E380] =	vst v63  }
0x94: {  	_ =	swait.ge [sflag:s29], $0x8000  }
0x95: {  	[sflag:s29] =	ssyncset.done $0x0  }
0x96: {  	[sflag:s29] =	ssyncadd.s32 $0xFFFF8000  }
0x97: {  	_ =	swait.ge [sflag:s30], $0x8000  }
0x98: {  	[sflag:s30] =	ssyncset.done $0x0  }
0x99: {  	[sflag:s30] =	ssyncadd.s32 $0xFFFF8000  }
0x9a: {  	[bflag:$0x0] =	sbarrier.arrive $0xFFFF  }
0x9b: {  	[tilespmem:s21], [sflag:$0x4] =	stream.linear.gather [spmem:s7], $0x8000, $0x38;
	[tilespmem:$0x1E380] =	vst v63  }
0x9c: {  	_ =	swait.ge [sflag:s22], $0x8000  }
0x9d: {  	[sflag:s22] =	ssyncset.done $0x0  }
0x9e: {  	[sflag:s22] =	ssyncadd.s32 $0xFFFF8000  }
0x9f: {  	[hbm4b:s15+s5] =	stream.linear.scatter [tilespmem:s21], [sflag:$0x4], $0x8000, $0x38;
	[tilespmem:$0x1E380] =	vst v63  }
0xa0: {  	_ =	swait.ge [sflag:s22], $0x8000  }
0xa1: {  	[sflag:s22] =	ssyncset.done $0x0  }
0xa2: {  	[sflag:s22] =	ssyncadd.s32 $0xFFFF8000  }
0xa3: {  	[tilespmem:s21], [sflag:$0x4] =	stream.linear.gather [spmem:s8], $0x4380, $0x38;
	[tilespmem:$0x1E380] =	vst v63  }
0xa4: {  	s31 =	sadd.s32 $0x1, s31;
	_ =	swait.ge [sflag:s22], $0x4380  }
0xa5: {  	p0 =	sne.s32 s31, s17;
	[sflag:s22] =	ssyncset.done $0x0  }
.Ltmp2:
0xa6: {  	[sflag:s22] =	ssyncadd.s32 $0xFFFFBC80;
	(pc) =	sbr.rel @p0 .LBB2_1-.Ltmp2, $4  }
0xa7: {  	[hbm4b:s16+s5] =	stream.linear.scatter [tilespmem:s21], [sflag:$0x4], $0x4380, $0x38;
	[tilespmem:$0x1E380] =	vst v63  }
0xa8: {  	_ =	swait.ge [sflag:s22], $0x4380  }
0xa9: {  	[sflag:s22] =	ssyncset.done $0x0  }
0xaa: {  	[sflag:s22] =	ssyncadd.s32 $0xFFFFBC80  }
0xab: {  	_ =	sfence.sel $0x180000  }
0xac: {  	[bflag:$0x0] =	sbarrier.arrive $0xFFFF  }
0xad: {  	_ =	strace $0x90000047  }
0xae: {  	s0 =	stileid.u32;
	[bflag:$0x2] =	sbarrier.arrive $0xFFFF  }
0xaf: {  	p0 =	sne.s32 s0, $0x0;
	s0 =	rddreg [dreg:$0x5]  }
0xb0: {  	s0 =	sadd.s32 @!p0 $0x100000, s0  }
0xb1: {  	[sflag:s0] =	ssyncadd.tile.s32 @!p0 $0x1;
	_ =	shalt  }
.Lfunc_end2:
_tile_overlayer_lowered:
.L_overlay_start_2:
0xb2: {  	(tag) =	ssettag $0x2  }
0xb3: {  	s0 =	rddreg [dreg:$0x0];
	s2 =	stileid.u32  }
0xb4: {  	s1 =	rddreg [dreg:$0x1];
	p0 =	sne.s32 s2, $0x0  }
0xb5: {  	s3 =	rddreg [dreg:$0x2];
	[bflag:$0x3] =	sbarrier.arrive $0xFFFF;
	s2 =	simm.s32 @!p0 $0x1C04  }
0xb6: {  	[timem:s3], [sflag:s2] =	dma.local @!p0 [hbm:s0], s1  }
0xb7: {  	s0 =	simm.s32 @!p0 $0x4  }
0xb8: {  	_ =	swait.ge @!p0 [sflag:s0], s1  }
0xb9: {  	s1 =	ssub.s32 @!p0 $0x0, s1;
	[sflag:s0] =	ssyncset.done @!p0 $0x0  }
0xba: {  	[sflag:s0] =	ssyncadd.s32 @!p0 s1  }
0xbb: {  	[bflag:$0x3] =	sbarrier.arrive $0xFFFF  }
0xbc: {  	_ =	shalt  }

</sc_bundles>
